<compile_context>
chip_gen: v7x
topology: tpu7x:2x2x1
jax: 0.10.2.dev20260603
libtpu: 0.0.44.dev20260713+nightly
codegen_flags: <defaults>
</compile_context>

<pallas_src>
import functools

import jax
import jax.numpy as jnp
from jax import lax
from jax.experimental import pallas as pl
from jax.experimental.pallas import tpu as pltpu
from jax.experimental.pallas import tpu_sc as plsc

_TC_BLOCKS = (256, 256, 512, 1024, 2048)
_SC_CHUNK = 64


def _tc_part(W_pos, batch, seq_len, d_model):
    offs = [0]
    for s in _TC_BLOCKS:
        offs.append(offs[-1] + s)
    nblk = len(_TC_BLOCKS)

    def _dma_kernel(w_hbm, o_hbm, buf, in_sems, out_sems):
        def in_copy(i):
            return pltpu.make_async_copy(
                w_hbm.at[pl.ds(offs[i], _TC_BLOCKS[i])],
                buf.at[pl.ds(offs[i], _TC_BLOCKS[i])],
                in_sems.at[i],
            )

        def out_copy(i, b):
            return pltpu.make_async_copy(
                buf.at[pl.ds(offs[i], _TC_BLOCKS[i])],
                o_hbm.at[b, pl.ds(offs[i], _TC_BLOCKS[i])],
                out_sems.at[i, b],
            )

        for i in range(nblk):
            in_copy(i).start()
        for i in range(nblk):
            in_copy(i).wait()
            for b in range(batch):
                out_copy(i, b).start()
        for i in range(nblk):
            for b in range(batch):
                out_copy(i, b).wait()

    return pl.pallas_call(
        _dma_kernel,
        in_specs=[pl.BlockSpec(memory_space=pl.ANY)],
        out_specs=pl.BlockSpec(memory_space=pl.ANY),
        out_shape=jax.ShapeDtypeStruct((batch, seq_len, d_model), W_pos.dtype),
        scratch_shapes=[
            pltpu.VMEM((seq_len, d_model), W_pos.dtype),
            pltpu.SemaphoreType.DMA((nblk,)),
            pltpu.SemaphoreType.DMA((nblk, batch)),
        ],
    )(W_pos)


def _sc_part(W_pos, batch, seq_len, d_model):
    info = plsc.get_sparse_core_info()
    nc, ns = info.num_cores, info.num_subcores
    nw = nc * ns
    rows_per_w = (batch * seq_len) // nw
    seq_per_b = seq_len // rows_per_w
    nchunk = rows_per_w // _SC_CHUNK

    mesh = plsc.VectorSubcoreMesh(core_axis_name="c", subcore_axis_name="s")

    @functools.partial(
        pl.kernel,
        mesh=mesh,
        out_type=jax.ShapeDtypeStruct((batch, seq_len, d_model), jnp.float32),
        scratch_types=[
            pltpu.VMEM((2, _SC_CHUNK, d_model), jnp.float32),
            pltpu.SemaphoreType.DMA((2,)),
            pltpu.SemaphoreType.DMA((2,)),
        ],
    )
    def _sc_copy(w_hbm, out_hbm, buf, in_sems, out_sems):
        wid = lax.axis_index("s") * nc + lax.axis_index("c")
        b = wid // seq_per_b
        s0 = (wid % seq_per_b) * rows_per_w

        def in_copy(j):
            return pltpu.make_async_copy(
                w_hbm.at[pl.ds(s0 + j * _SC_CHUNK, _SC_CHUNK)],
                buf.at[j % 2],
                in_sems.at[j % 2],
            )

        def out_copy(j):
            return pltpu.make_async_copy(
                buf.at[j % 2],
                out_hbm.at[b, pl.ds(s0 + j * _SC_CHUNK, _SC_CHUNK)],
                out_sems.at[j % 2],
            )

        in_copy(0).start()
        for j in range(nchunk):
            in_copy(j).wait()
            out_copy(j).start()
            if j + 1 < nchunk:
                if j >= 1:
                    out_copy(j - 1).wait()
                in_copy(j + 1).start()
        if nchunk >= 2:
            out_copy(nchunk - 2).wait()
        out_copy(nchunk - 1).wait()

    return _sc_copy(W_pos)


def kernel(tokens, W_pos):
    batch, seq_len = tokens.shape
    d_model = W_pos.shape[1]
    b_sc = 1
    b_tc = batch - b_sc
    out_tc = _tc_part(W_pos, b_tc, seq_len, d_model)
    out_sc = _sc_part(W_pos, b_sc, seq_len, d_model)
    return jnp.concatenate([out_tc, out_sc], axis=0)

# --- scband reference (transcript-rebuilt; emitter-appended) ---
"""Pipeline reference for scband-pos-embedding-18253611008517 (READ-ONLY COPY).

The authoritative reference and input builder live on the scoring server;
editing this copy changes nothing except your own understanding.
"""

import jax, jax.numpy as jnp
import numpy as np

N_CTX = 8192
D_MODEL = 1024
BATCH = 4
SEQ_LEN = 4096


def setup_inputs(seed: int = 0) -> dict:
    key = jax.random.key(seed)
    k_tok, k_w = jax.random.split(key)
    tokens = jax.random.randint(k_tok, (BATCH, SEQ_LEN), 0, 50257, dtype=jnp.int64 if jax.config.jax_enable_x64 else jnp.int32)
    W_pos = jax.random.normal(k_w, (N_CTX, D_MODEL), dtype=jnp.float32) * 0.02
    return {"tokens": tokens, "W_pos": W_pos}


def reference(tokens, W_pos):
    batch, seq_len = tokens.shape
    # einops.repeat(W_pos[:seq_len], 'seq d -> batch seq d', batch=batch)
    pos = W_pos[:seq_len]
    out = jnp.broadcast_to(pos[None, :, :], (batch, seq_len, pos.shape[-1]))
    return out

if __name__ == "__main__":
    import jax
    _d = setup_inputs()
    print(jax.jit(kernel)(*tuple(_d.values())))

</pallas_src>

<mosaic_0001>
#map = affine_map<(d0, d1) -> (0, 0)>
#map1 = affine_map<(d0, d1) -> (0, 0, 0)>
module attributes {stable_mosaic.version = 14 : i64} {
  func.func @_sc_copy(%arg0: i32, %arg1: i32, %arg2: memref<8192x1024xf32, #tpu.memory_space<hbm>>, %arg3: memref<1x4096x1024xf32, #tpu.memory_space<hbm>>, %arg4: memref<2x64x1024xf32, #tpu.memory_space<vmem>>, %arg5: memref<2x!tpu.dma_semaphore, #tpu.memory_space<semaphore_mem>>, %arg6: memref<2x!tpu.dma_semaphore, #tpu.memory_space<semaphore_mem>>) attributes {dimension_semantics = [#tpu.dimension_semantics<core_parallel>, #tpu.dimension_semantics<subcore_parallel>], iteration_bounds = array<i64: 2, 16>, scalar_prefetch = 0 : i64, scratch_operands = 3 : i64, tpu.core_type = #tpu.core_type<sc_vector_subcore>, window_params = [{transform_indices = #map}, {transform_indices = #map1}]} {
    %mul3A = arith.constant 2 : i32
    %mul3A_0 = arith.muli %arg1, %mul3A : i32
    %add3A = arith.addi %mul3A_0, %arg0 : i32
    %jit3A = arith.constant 32 : i32
    %div3A = arith.divsi %add3A, %jit3A : i32
    %sign3A = arith.constant 0 : i32
    %sign3A_1 = arith.cmpi sgt, %add3A, %sign3A : i32
    %sign3A_2 = arith.extui %sign3A_1 : i1 to i32
    %sign3A_3 = arith.constant 0 : i32
    %sign3A_4 = arith.cmpi slt, %add3A, %sign3A_3 : i32
    %sign3A_5 = arith.extui %sign3A_4 : i1 to i32
    %sign3A_6 = arith.subi %sign3A_2, %sign3A_5 : i32
    %sign3A_7 = arith.constant 0 : i32
    %sign3A_8 = arith.cmpi sgt, %jit3A, %sign3A_7 : i32
    %sign3A_9 = arith.extui %sign3A_8 : i1 to i32
    %sign3A_10 = arith.constant 0 : i32
    %sign3A_11 = arith.cmpi slt, %jit3A, %sign3A_10 : i32
    %sign3A_12 = arith.extui %sign3A_11 : i1 to i32
    %sign3A_13 = arith.subi %sign3A_9, %sign3A_12 : i32
    %ne3A = arith.cmpi ne, %sign3A_6, %sign3A_13 : i32
    %rem3A = arith.remsi %add3A, %jit3A : i32
    %ne3A_14 = arith.constant 0 : i32
    %ne3A_15 = arith.cmpi ne, %rem3A, %ne3A_14 : i32
    %and3A = arith.andi %ne3A, %ne3A_15 : i1
    %sub3A = arith.constant 1 : i32
    %sub3A_16 = arith.subi %div3A, %sub3A : i32
    %select_n3A = arith.select %and3A, %sub3A_16, %div3A : i32
    %jit3A_17 = arith.constant 32 : i32
    %eq3A = arith.constant 0 : i32
    %eq3A_18 = arith.cmpi eq, %jit3A_17, %eq3A : i32
    %jit3A_19 = arith.constant 1 : i32
    %select_n3A_20 = arith.select %eq3A_18, %jit3A_19, %jit3A_17 : i32
    %rem3A_21 = arith.remsi %add3A, %select_n3A_20 : i32
    %ne3A_22 = arith.constant 0 : i32
    %ne3A_23 = arith.cmpi ne, %rem3A_21, %ne3A_22 : i32
    %lt3A = arith.constant 0 : i32
    %lt3A_24 = arith.cmpi slt, %rem3A_21, %lt3A : i32
    %lt3A_25 = arith.constant 0 : i32
    %lt3A_26 = arith.cmpi slt, %select_n3A_20, %lt3A_25 : i32
    %ne3A_27 = arith.xori %lt3A_24, %lt3A_26 : i1
    %and3A_28 = arith.andi %ne3A_27, %ne3A_23 : i1
    %add3A_29 = arith.addi %rem3A_21, %select_n3A_20 : i32
    %select_n3A_30 = arith.select %and3A_28, %add3A_29, %rem3A_21 : i32
    %mul3A_31 = arith.constant 128 : i32
    %mul3A_32 = arith.muli %select_n3A_30, %mul3A_31 : i32
    %add3A_33 = arith.constant 0 : i32
    %add3A_34 = arith.addi %mul3A_32, %add3A_33 : i32
    %dma_start3A = arith.constant 0 : i32
    %dma_start3A_35 = arith.constant 0 : i32
    %dma_start3A_36 = arith.constant 0 : i32
    %dma_start3A_37 = arith.constant 0 : i32
    %dma_start3A_38 = tpu.memref_slice %arg4[%dma_start3A, %dma_start3A_36, %dma_start3A_37] : memref<2x64x1024xf32, #tpu.memory_space<vmem>> -> memref<1x64x1024xf32, #tpu.memory_space<vmem>>
    %dma_start3A_39 = tpu.memref_squeeze %dma_start3A_38 : memref<1x64x1024xf32, #tpu.memory_space<vmem>> -> memref<64x1024xf32, #tpu.memory_space<vmem>>
    %dma_start3A_40 = arith.constant 0 : i32
    %dma_start3A_41 = tpu.memref_slice %arg2[%add3A_34, %dma_start3A_40] : memref<8192x1024xf32, #tpu.memory_space<hbm>> -> memref<64x1024xf32, #tpu.memory_space<hbm>>
    %dma_start3A_42 = tpu.memref_slice %arg5[%dma_start3A_35] : memref<2x!tpu.dma_semaphore, #tpu.memory_space<semaphore_mem>> -> memref<1x!tpu.dma_semaphore, #tpu.memory_space<semaphore_mem>>
    %dma_start3A_43 = tpu.memref_squeeze %dma_start3A_42 : memref<1x!tpu.dma_semaphore, #tpu.memory_space<semaphore_mem>> -> memref<!tpu.dma_semaphore, #tpu.memory_space<semaphore_mem>>
    %dma_start3A_44 = arith.constant 0 : i32
    %dma_start3A_45 = arith.constant 0 : i32
    %dma_start3A_46 = tpu.memref_slice %arg4[%dma_start3A, %dma_start3A_44, %dma_start3A_45] : memref<2x64x1024xf32, #tpu.memory_space<vmem>> -> memref<1x64x1024xf32, #tpu.memory_space<vmem>>
    %dma_start3A_47 = tpu.memref_squeeze %dma_start3A_46 : memref<1x64x1024xf32, #tpu.memory_space<vmem>> -> memref<64x1024xf32, #tpu.memory_space<vmem>>
    %dma_start3A_48 = arith.constant 0 : i32
    %dma_start3A_49 = tpu.memref_slice %arg2[%add3A_34, %dma_start3A_48] : memref<8192x1024xf32, #tpu.memory_space<hbm>> -> memref<64x1024xf32, #tpu.memory_space<hbm>>
    tpu.enqueue_dma source(%dma_start3A_49 : memref<64x1024xf32, #tpu.memory_space<hbm>>) target(%dma_start3A_47 : memref<64x1024xf32, #tpu.memory_space<vmem>>) target_semaphore(%dma_start3A_43 : memref<!tpu.dma_semaphore, #tpu.memory_space<semaphore_mem>>)
    %add3A_50 = arith.constant 0 : i32
    %add3A_51 = arith.addi %mul3A_32, %add3A_50 : i32
    %dma_wait3A = arith.constant 0 : i32
    %dma_wait3A_52 = arith.constant 0 : i32
    %dma_wait3A_53 = arith.constant 0 : i32
    %dma_wait3A_54 = arith.constant 0 : i32
    %dma_wait3A_55 = tpu.memref_slice %arg4[%dma_wait3A, %dma_wait3A_53, %dma_wait3A_54] : memref<2x64x1024xf32, #tpu.memory_space<vmem>> -> memref<1x64x1024xf32, #tpu.memory_space<vmem>>
    %dma_wait3A_56 = tpu.memref_squeeze %dma_wait3A_55 : memref<1x64x1024xf32, #tpu.memory_space<vmem>> -> memref<64x1024xf32, #tpu.memory_space<vmem>>
    %dma_wait3A_57 = arith.constant 0 : i32
    %dma_wait3A_58 = tpu.memref_slice %arg2[%add3A_51, %dma_wait3A_57] : memref<8192x1024xf32, #tpu.memory_space<hbm>> -> memref<64x1024xf32, #tpu.memory_space<hbm>>
    %dma_wait3A_59 = tpu.memref_slice %arg5[%dma_wait3A_52] : memref<2x!tpu.dma_semaphore, #tpu.memory_space<semaphore_mem>> -> memref<1x!tpu.dma_semaphore, #tpu.memory_space<semaphore_mem>>
    %dma_wait3A_60 = tpu.memref_squeeze %dma_wait3A_59 : memref<1x!tpu.dma_semaphore, #tpu.memory_space<semaphore_mem>> -> memref<!tpu.dma_semaphore, #tpu.memory_space<semaphore_mem>>
    %dma_wait3A_61 = arith.constant 0 : i32
    %dma_wait3A_62 = arith.constant 0 : i32
    %dma_wait3A_63 = tpu.memref_slice %arg4[%dma_wait3A, %dma_wait3A_61, %dma_wait3A_62] : memref<2x64x1024xf32, #tpu.memory_space<vmem>> -> memref<1x64x1024xf32, #tpu.memory_space<vmem>>
    %dma_wait3A_64 = tpu.memref_squeeze %dma_wait3A_63 : memref<1x64x1024xf32, #tpu.memory_space<vmem>> -> memref<64x1024xf32, #tpu.memory_space<vmem>>
    %dma_wait3A_65 = arith.constant 0 : i32
    %dma_wait3A_66 = tpu.memref_slice %arg2[%add3A_51, %dma_wait3A_65] : memref<8192x1024xf32, #tpu.memory_space<hbm>> -> memref<64x1024xf32, #tpu.memory_space<hbm>>
    tpu.wait_dma2 semaphore(%dma_wait3A_60 : memref<!tpu.dma_semaphore, #tpu.memory_space<semaphore_mem>>) src(%dma_wait3A_66 : memref<64x1024xf32, #tpu.memory_space<hbm>>) dst(%dma_wait3A_64 : memref<64x1024xf32, #tpu.memory_space<vmem>>)
    %add3A_67 = arith.constant 0 : i32
    %add3A_68 = arith.addi %mul3A_32, %add3A_67 : i32
    %dma_start3A_69 = arith.constant 0 : i32
    %dma_start3A_70 = arith.constant 0 : i32
    %dma_start3A_71 = arith.constant 0 : i32
    %dma_start3A_72 = arith.constant 0 : i32
    %dma_start3A_73 = tpu.memref_slice %arg4[%dma_start3A_69, %dma_start3A_71, %dma_start3A_72] : memref<2x64x1024xf32, #tpu.memory_space<vmem>> -> memref<1x64x1024xf32, #tpu.memory_space<vmem>>
    %dma_start3A_74 = tpu.memref_squeeze %dma_start3A_73 : memref<1x64x1024xf32, #tpu.memory_space<vmem>> -> memref<64x1024xf32, #tpu.memory_space<vmem>>
    %dma_start3A_75 = arith.constant 0 : i32
    %dma_start3A_76 = tpu.memref_slice %arg3[%select_n3A, %add3A_68, %dma_start3A_75] : memref<1x4096x1024xf32, #tpu.memory_space<hbm>> -> memref<1x64x1024xf32, #tpu.memory_space<hbm>>
    %dma_start3A_77 = tpu.memref_squeeze %dma_start3A_76 : memref<1x64x1024xf32, #tpu.memory_space<hbm>> -> memref<64x1024xf32, #tpu.memory_space<hbm>>
    %dma_start3A_78 = tpu.memref_slice %arg6[%dma_start3A_70] : memref<2x!tpu.dma_semaphore, #tpu.memory_space<semaphore_mem>> -> memref<1x!tpu.dma_semaphore, #tpu.memory_space<semaphore_mem>>
    %dma_start3A_79 = tpu.memref_squeeze %dma_start3A_78 : memref<1x!tpu.dma_semaphore, #tpu.memory_space<semaphore_mem>> -> memref<!tpu.dma_semaphore, #tpu.memory_space<semaphore_mem>>
    %dma_start3A_80 = arith.constant 0 : i32
    %dma_start3A_81 = tpu.memref_slice %arg3[%select_n3A, %add3A_68, %dma_start3A_80] : memref<1x4096x1024xf32, #tpu.memory_space<hbm>> -> memref<1x64x1024xf32, #tpu.memory_space<hbm>>
    %dma_start3A_82 = tpu.memref_squeeze %dma_start3A_81 : memref<1x64x1024xf32, #tpu.memory_space<hbm>> -> memref<64x1024xf32, #tpu.memory_space<hbm>>
    %dma_start3A_83 = arith.constant 0 : i32
    %dma_start3A_84 = arith.constant 0 : i32
    %dma_start3A_85 = tpu.memref_slice %arg4[%dma_start3A_69, %dma_start3A_83, %dma_start3A_84] : memref<2x64x1024xf32, #tpu.memory_space<vmem>> -> memref<1x64x1024xf32, #tpu.memory_space<vmem>>
    %dma_start3A_86 = tpu.memref_squeeze %dma_start3A_85 : memref<1x64x1024xf32, #tpu.memory_space<vmem>> -> memref<64x1024xf32, #tpu.memory_space<vmem>>
    tpu.enqueue_dma source(%dma_start3A_86 : memref<64x1024xf32, #tpu.memory_space<vmem>>) target(%dma_start3A_82 : memref<64x1024xf32, #tpu.memory_space<hbm>>) target_semaphore(%dma_start3A_79 : memref<!tpu.dma_semaphore, #tpu.memory_space<semaphore_mem>>)
    %add3A_87 = arith.constant 64 : i32
    %add3A_88 = arith.addi %mul3A_32, %add3A_87 : i32
    %dma_start3A_89 = arith.constant 1 : i32
    %dma_start3A_90 = arith.constant 1 : i32
    %dma_start3A_91 = arith.constant 0 : i32
    %dma_start3A_92 = arith.constant 0 : i32
    %dma_start3A_93 = tpu.memref_slice %arg4[%dma_start3A_89, %dma_start3A_91, %dma_start3A_92] : memref<2x64x1024xf32, #tpu.memory_space<vmem>> -> memref<1x64x1024xf32, #tpu.memory_space<vmem>>
    %dma_start3A_94 = tpu.memref_squeeze %dma_start3A_93 : memref<1x64x1024xf32, #tpu.memory_space<vmem>> -> memref<64x1024xf32, #tpu.memory_space<vmem>>
    %dma_start3A_95 = arith.constant 0 : i32
    %dma_start3A_96 = tpu.memref_slice %arg2[%add3A_88, %dma_start3A_95] : memref<8192x1024xf32, #tpu.memory_space<hbm>> -> memref<64x1024xf32, #tpu.memory_space<hbm>>
    %dma_start3A_97 = tpu.memref_slice %arg5[%dma_start3A_90] : memref<2x!tpu.dma_semaphore, #tpu.memory_space<semaphore_mem>> -> memref<1x!tpu.dma_semaphore, #tpu.memory_space<semaphore_mem>>
    %dma_start3A_98 = tpu.memref_squeeze %dma_start3A_97 : memref<1x!tpu.dma_semaphore, #tpu.memory_space<semaphore_mem>> -> memref<!tpu.dma_semaphore, #tpu.memory_space<semaphore_mem>>
    %dma_start3A_99 = arith.constant 0 : i32
    %dma_start3A_100 = arith.constant 0 : i32
    %dma_start3A_101 = tpu.memref_slice %arg4[%dma_start3A_89, %dma_start3A_99, %dma_start3A_100] : memref<2x64x1024xf32, #tpu.memory_space<vmem>> -> memref<1x64x1024xf32, #tpu.memory_space<vmem>>
    %dma_start3A_102 = tpu.memref_squeeze %dma_start3A_101 : memref<1x64x1024xf32, #tpu.memory_space<vmem>> -> memref<64x1024xf32, #tpu.memory_space<vmem>>
    %dma_start3A_103 = arith.constant 0 : i32
    %dma_start3A_104 = tpu.memref_slice %arg2[%add3A_88, %dma_start3A_103] : memref<8192x1024xf32, #tpu.memory_space<hbm>> -> memref<64x1024xf32, #tpu.memory_space<hbm>>
    tpu.enqueue_dma source(%dma_start3A_104 : memref<64x1024xf32, #tpu.memory_space<hbm>>) target(%dma_start3A_102 : memref<64x1024xf32, #tpu.memory_space<vmem>>) target_semaphore(%dma_start3A_98 : memref<!tpu.dma_semaphore, #tpu.memory_space<semaphore_mem>>)
    %add3A_105 = arith.constant 64 : i32
    %add3A_106 = arith.addi %mul3A_32, %add3A_105 : i32
    %dma_wait3A_107 = arith.constant 1 : i32
    %dma_wait3A_108 = arith.constant 1 : i32
    %dma_wait3A_109 = arith.constant 0 : i32
    %dma_wait3A_110 = arith.constant 0 : i32
    %dma_wait3A_111 = tpu.memref_slice %arg4[%dma_wait3A_107, %dma_wait3A_109, %dma_wait3A_110] : memref<2x64x1024xf32, #tpu.memory_space<vmem>> -> memref<1x64x1024xf32, #tpu.memory_space<vmem>>
    %dma_wait3A_112 = tpu.memref_squeeze %dma_wait3A_111 : memref<1x64x1024xf32, #tpu.memory_space<vmem>> -> memref<64x1024xf32, #tpu.memory_space<vmem>>
    %dma_wait3A_113 = arith.constant 0 : i32
    %dma_wait3A_114 = tpu.memref_slice %arg2[%add3A_106, %dma_wait3A_113] : memref<8192x1024xf32, #tpu.memory_space<hbm>> -> memref<64x1024xf32, #tpu.memory_space<hbm>>
    %dma_wait3A_115 = tpu.memref_slice %arg5[%dma_wait3A_108] : memref<2x!tpu.dma_semaphore, #tpu.memory_space<semaphore_mem>> -> memref<1x!tpu.dma_semaphore, #tpu.memory_space<semaphore_mem>>
    %dma_wait3A_116 = tpu.memref_squeeze %dma_wait3A_115 : memref<1x!tpu.dma_semaphore, #tpu.memory_space<semaphore_mem>> -> memref<!tpu.dma_semaphore, #tpu.memory_space<semaphore_mem>>
    %dma_wait3A_117 = arith.constant 0 : i32
    %dma_wait3A_118 = arith.constant 0 : i32
    %dma_wait3A_119 = tpu.memref_slice %arg4[%dma_wait3A_107, %dma_wait3A_117, %dma_wait3A_118] : memref<2x64x1024xf32, #tpu.memory_space<vmem>> -> memref<1x64x1024xf32, #tpu.memory_space<vmem>>
    %dma_wait3A_120 = tpu.memref_squeeze %dma_wait3A_119 : memref<1x64x1024xf32, #tpu.memory_space<vmem>> -> memref<64x1024xf32, #tpu.memory_space<vmem>>
    %dma_wait3A_121 = arith.constant 0 : i32
    %dma_wait3A_122 = tpu.memref_slice %arg2[%add3A_106, %dma_wait3A_121] : memref<8192x1024xf32, #tpu.memory_space<hbm>> -> memref<64x1024xf32, #tpu.memory_space<hbm>>
    tpu.wait_dma2 semaphore(%dma_wait3A_116 : memref<!tpu.dma_semaphore, #tpu.memory_space<semaphore_mem>>) src(%dma_wait3A_122 : memref<64x1024xf32, #tpu.memory_space<hbm>>) dst(%dma_wait3A_120 : memref<64x1024xf32, #tpu.memory_space<vmem>>)
    %add3A_123 = arith.constant 64 : i32
    %add3A_124 = arith.addi %mul3A_32, %add3A_123 : i32
    %dma_start3A_125 = arith.constant 1 : i32
    %dma_start3A_126 = arith.constant 1 : i32
    %dma_start3A_127 = arith.constant 0 : i32
    %dma_start3A_128 = arith.constant 0 : i32
    %dma_start3A_129 = tpu.memref_slice %arg4[%dma_start3A_125, %dma_start3A_127, %dma_start3A_128] : memref<2x64x1024xf32, #tpu.memory_space<vmem>> -> memref<1x64x1024xf32, #tpu.memory_space<vmem>>
    %dma_start3A_130 = tpu.memref_squeeze %dma_start3A_129 : memref<1x64x1024xf32, #tpu.memory_space<vmem>> -> memref<64x1024xf32, #tpu.memory_space<vmem>>
    %dma_start3A_131 = arith.constant 0 : i32
    %dma_start3A_132 = tpu.memref_slice %arg3[%select_n3A, %add3A_124, %dma_start3A_131] : memref<1x4096x1024xf32, #tpu.memory_space<hbm>> -> memref<1x64x1024xf32, #tpu.memory_space<hbm>>
    %dma_start3A_133 = tpu.memref_squeeze %dma_start3A_132 : memref<1x64x1024xf32, #tpu.memory_space<hbm>> -> memref<64x1024xf32, #tpu.memory_space<hbm>>
    %dma_start3A_134 = tpu.memref_slice %arg6[%dma_start3A_126] : memref<2x!tpu.dma_semaphore, #tpu.memory_space<semaphore_mem>> -> memref<1x!tpu.dma_semaphore, #tpu.memory_space<semaphore_mem>>
    %dma_start3A_135 = tpu.memref_squeeze %dma_start3A_134 : memref<1x!tpu.dma_semaphore, #tpu.memory_space<semaphore_mem>> -> memref<!tpu.dma_semaphore, #tpu.memory_space<semaphore_mem>>
    %dma_start3A_136 = arith.constant 0 : i32
    %dma_start3A_137 = tpu.memref_slice %arg3[%select_n3A, %add3A_124, %dma_start3A_136] : memref<1x4096x1024xf32, #tpu.memory_space<hbm>> -> memref<1x64x1024xf32, #tpu.memory_space<hbm>>
    %dma_start3A_138 = tpu.memref_squeeze %dma_start3A_137 : memref<1x64x1024xf32, #tpu.memory_space<hbm>> -> memref<64x1024xf32, #tpu.memory_space<hbm>>
    %dma_start3A_139 = arith.constant 0 : i32
    %dma_start3A_140 = arith.constant 0 : i32
    %dma_start3A_141 = tpu.memref_slice %arg4[%dma_start3A_125, %dma_start3A_139, %dma_start3A_140] : memref<2x64x1024xf32, #tpu.memory_space<vmem>> -> memref<1x64x1024xf32, #tpu.memory_space<vmem>>
    %dma_start3A_142 = tpu.memref_squeeze %dma_start3A_141 : memref<1x64x1024xf32, #tpu.memory_space<vmem>> -> memref<64x1024xf32, #tpu.memory_space<vmem>>
    tpu.enqueue_dma source(%dma_start3A_142 : memref<64x1024xf32, #tpu.memory_space<vmem>>) target(%dma_start3A_138 : memref<64x1024xf32, #tpu.memory_space<hbm>>) target_semaphore(%dma_start3A_135 : memref<!tpu.dma_semaphore, #tpu.memory_space<semaphore_mem>>)
    %add3A_143 = arith.constant 0 : i32
    %add3A_144 = arith.addi %mul3A_32, %add3A_143 : i32
    %dma_wait3A_145 = arith.constant 0 : i32
    %dma_wait3A_146 = arith.constant 0 : i32
    %dma_wait3A_147 = arith.constant 0 : i32
    %dma_wait3A_148 = arith.constant 0 : i32
    %dma_wait3A_149 = tpu.memref_slice %arg4[%dma_wait3A_145, %dma_wait3A_147, %dma_wait3A_148] : memref<2x64x1024xf32, #tpu.memory_space<vmem>> -> memref<1x64x1024xf32, #tpu.memory_space<vmem>>
    %dma_wait3A_150 = tpu.memref_squeeze %dma_wait3A_149 : memref<1x64x1024xf32, #tpu.memory_space<vmem>> -> memref<64x1024xf32, #tpu.memory_space<vmem>>
    %dma_wait3A_151 = arith.constant 0 : i32
    %dma_wait3A_152 = tpu.memref_slice %arg3[%select_n3A, %add3A_144, %dma_wait3A_151] : memref<1x4096x1024xf32, #tpu.memory_space<hbm>> -> memref<1x64x1024xf32, #tpu.memory_space<hbm>>
    %dma_wait3A_153 = tpu.memref_squeeze %dma_wait3A_152 : memref<1x64x1024xf32, #tpu.memory_space<hbm>> -> memref<64x1024xf32, #tpu.memory_space<hbm>>
    %dma_wait3A_154 = tpu.memref_slice %arg6[%dma_wait3A_146] : memref<2x!tpu.dma_semaphore, #tpu.memory_space<semaphore_mem>> -> memref<1x!tpu.dma_semaphore, #tpu.memory_space<semaphore_mem>>
    %dma_wait3A_155 = tpu.memref_squeeze %dma_wait3A_154 : memref<1x!tpu.dma_semaphore, #tpu.memory_space<semaphore_mem>> -> memref<!tpu.dma_semaphore, #tpu.memory_space<semaphore_mem>>
    %dma_wait3A_156 = arith.constant 0 : i32
    %dma_wait3A_157 = tpu.memref_slice %arg3[%select_n3A, %add3A_144, %dma_wait3A_156] : memref<1x4096x1024xf32, #tpu.memory_space<hbm>> -> memref<1x64x1024xf32, #tpu.memory_space<hbm>>
    %dma_wait3A_158 = tpu.memref_squeeze %dma_wait3A_157 : memref<1x64x1024xf32, #tpu.memory_space<hbm>> -> memref<64x1024xf32, #tpu.memory_space<hbm>>
    %dma_wait3A_159 = arith.constant 0 : i32
    %dma_wait3A_160 = arith.constant 0 : i32
    %dma_wait3A_161 = tpu.memref_slice %arg4[%dma_wait3A_145, %dma_wait3A_159, %dma_wait3A_160] : memref<2x64x1024xf32, #tpu.memory_space<vmem>> -> memref<1x64x1024xf32, #tpu.memory_space<vmem>>
    %dma_wait3A_162 = tpu.memref_squeeze %dma_wait3A_161 : memref<1x64x1024xf32, #tpu.memory_space<vmem>> -> memref<64x1024xf32, #tpu.memory_space<vmem>>
    tpu.wait_dma2 semaphore(%dma_wait3A_155 : memref<!tpu.dma_semaphore, #tpu.memory_space<semaphore_mem>>) src(%dma_wait3A_162 : memref<64x1024xf32, #tpu.memory_space<vmem>>) dst(%dma_wait3A_158 : memref<64x1024xf32, #tpu.memory_space<hbm>>)
    %add3A_163 = arith.constant 64 : i32
    %add3A_164 = arith.addi %mul3A_32, %add3A_163 : i32
    %dma_wait3A_165 = arith.constant 1 : i32
    %dma_wait3A_166 = arith.constant 1 : i32
    %dma_wait3A_167 = arith.constant 0 : i32
    %dma_wait3A_168 = arith.constant 0 : i32
    %dma_wait3A_169 = tpu.memref_slice %arg4[%dma_wait3A_165, %dma_wait3A_167, %dma_wait3A_168] : memref<2x64x1024xf32, #tpu.memory_space<vmem>> -> memref<1x64x1024xf32, #tpu.memory_space<vmem>>
    %dma_wait3A_170 = tpu.memref_squeeze %dma_wait3A_169 : memref<1x64x1024xf32, #tpu.memory_space<vmem>> -> memref<64x1024xf32, #tpu.memory_space<vmem>>
    %dma_wait3A_171 = arith.constant 0 : i32
    %dma_wait3A_172 = tpu.memref_slice %arg3[%select_n3A, %add3A_164, %dma_wait3A_171] : memref<1x4096x1024xf32, #tpu.memory_space<hbm>> -> memref<1x64x1024xf32, #tpu.memory_space<hbm>>
    %dma_wait3A_173 = tpu.memref_squeeze %dma_wait3A_172 : memref<1x64x1024xf32, #tpu.memory_space<hbm>> -> memref<64x1024xf32, #tpu.memory_space<hbm>>
    %dma_wait3A_174 = tpu.memref_slice %arg6[%dma_wait3A_166] : memref<2x!tpu.dma_semaphore, #tpu.memory_space<semaphore_mem>> -> memref<1x!tpu.dma_semaphore, #tpu.memory_space<semaphore_mem>>
    %dma_wait3A_175 = tpu.memref_squeeze %dma_wait3A_174 : memref<1x!tpu.dma_semaphore, #tpu.memory_space<semaphore_mem>> -> memref<!tpu.dma_semaphore, #tpu.memory_space<semaphore_mem>>
    %dma_wait3A_176 = arith.constant 0 : i32
    %dma_wait3A_177 = tpu.memref_slice %arg3[%select_n3A, %add3A_164, %dma_wait3A_176] : memref<1x4096x1024xf32, #tpu.memory_space<hbm>> -> memref<1x64x1024xf32, #tpu.memory_space<hbm>>
    %dma_wait3A_178 = tpu.memref_squeeze %dma_wait3A_177 : memref<1x64x1024xf32, #tpu.memory_space<hbm>> -> memref<64x1024xf32, #tpu.memory_space<hbm>>
    %dma_wait3A_179 = arith.constant 0 : i32
    %dma_wait3A_180 = arith.constant 0 : i32
    %dma_wait3A_181 = tpu.memref_slice %arg4[%dma_wait3A_165, %dma_wait3A_179, %dma_wait3A_180] : memref<2x64x1024xf32, #tpu.memory_space<vmem>> -> memref<1x64x1024xf32, #tpu.memory_space<vmem>>
    %dma_wait3A_182 = tpu.memref_squeeze %dma_wait3A_181 : memref<1x64x1024xf32, #tpu.memory_space<vmem>> -> memref<64x1024xf32, #tpu.memory_space<vmem>>
    tpu.wait_dma2 semaphore(%dma_wait3A_175 : memref<!tpu.dma_semaphore, #tpu.memory_space<semaphore_mem>>) src(%dma_wait3A_182 : memref<64x1024xf32, #tpu.memory_space<vmem>>) dst(%dma_wait3A_178 : memref<64x1024xf32, #tpu.memory_space<hbm>>)
    return
  }
}

module attributes {stable_mosaic.version = 14 : i64} {
  func.func @_dma_kernel(%arg0: memref<8192x1024xf32, #tpu.memory_space<any>>, %arg1: memref<3x4096x1024xf32, #tpu.memory_space<any>>, %arg2: memref<4096x1024xf32, #tpu.memory_space<vmem>>, %arg3: memref<5x!tpu.dma_semaphore, #tpu.memory_space<semaphore_mem>>, %arg4: memref<5x3x!tpu.dma_semaphore, #tpu.memory_space<semaphore_mem>>) attributes {dimension_semantics = [], scalar_prefetch = 0 : i64, scratch_operands = 3 : i64, tpu.core_type = #tpu.core_type<tc>} {
    %dma_start3A = arith.constant 0 : i32
    %dma_start3A_0 = tpu.memref_slice %arg3[%dma_start3A] : memref<5x!tpu.dma_semaphore, #tpu.memory_space<semaphore_mem>> -> memref<1x!tpu.dma_semaphore, #tpu.memory_space<semaphore_mem>>
    %dma_start3A_1 = tpu.memref_squeeze %dma_start3A_0 : memref<1x!tpu.dma_semaphore, #tpu.memory_space<semaphore_mem>> -> memref<!tpu.dma_semaphore, #tpu.memory_space<semaphore_mem>>
    %dma_start3A_2 = arith.constant 0 : i32
    %dma_start3A_3 = arith.constant 0 : i32
    %dma_start3A_4 = tpu.memref_slice %arg2[%dma_start3A_2, %dma_start3A_3] : memref<4096x1024xf32, #tpu.memory_space<vmem>> -> memref<256x1024xf32, #tpu.memory_space<vmem>>
    %dma_start3A_5 = arith.constant 0 : i32
    %dma_start3A_6 = arith.constant 0 : i32
    %dma_start3A_7 = tpu.memref_slice %arg0[%dma_start3A_5, %dma_start3A_6] : memref<8192x1024xf32, #tpu.memory_space<any>> -> memref<256x1024xf32, #tpu.memory_space<any>>
    tpu.enqueue_dma source(%dma_start3A_7 : memref<256x1024xf32, #tpu.memory_space<any>>) target(%dma_start3A_4 : memref<256x1024xf32, #tpu.memory_space<vmem>>) target_semaphore(%dma_start3A_1 : memref<!tpu.dma_semaphore, #tpu.memory_space<semaphore_mem>>)
    %dma_start3A_8 = arith.constant 1 : i32
    %dma_start3A_9 = tpu.memref_slice %arg3[%dma_start3A_8] : memref<5x!tpu.dma_semaphore, #tpu.memory_space<semaphore_mem>> -> memref<1x!tpu.dma_semaphore, #tpu.memory_space<semaphore_mem>>
    %dma_start3A_10 = tpu.memref_squeeze %dma_start3A_9 : memref<1x!tpu.dma_semaphore, #tpu.memory_space<semaphore_mem>> -> memref<!tpu.dma_semaphore, #tpu.memory_space<semaphore_mem>>
    %dma_start3A_11 = arith.constant 256 : i32
    %dma_start3A_12 = arith.constant 0 : i32
    %dma_start3A_13 = tpu.memref_slice %arg2[%dma_start3A_11, %dma_start3A_12] : memref<4096x1024xf32, #tpu.memory_space<vmem>> -> memref<256x1024xf32, #tpu.memory_space<vmem>>
    %dma_start3A_14 = arith.constant 256 : i32
    %dma_start3A_15 = arith.constant 0 : i32
    %dma_start3A_16 = tpu.memref_slice %arg0[%dma_start3A_14, %dma_start3A_15] : memref<8192x1024xf32, #tpu.memory_space<any>> -> memref<256x1024xf32, #tpu.memory_space<any>>
    tpu.enqueue_dma source(%dma_start3A_16 : memref<256x1024xf32, #tpu.memory_space<any>>) target(%dma_start3A_13 : memref<256x1024xf32, #tpu.memory_space<vmem>>) target_semaphore(%dma_start3A_10 : memref<!tpu.dma_semaphore, #tpu.memory_space<semaphore_mem>>)
    %dma_start3A_17 = arith.constant 2 : i32
    %dma_start3A_18 = tpu.memref_slice %arg3[%dma_start3A_17] : memref<5x!tpu.dma_semaphore, #tpu.memory_space<semaphore_mem>> -> memref<1x!tpu.dma_semaphore, #tpu.memory_space<semaphore_mem>>
    %dma_start3A_19 = tpu.memref_squeeze %dma_start3A_18 : memref<1x!tpu.dma_semaphore, #tpu.memory_space<semaphore_mem>> -> memref<!tpu.dma_semaphore, #tpu.memory_space<semaphore_mem>>
    %dma_start3A_20 = arith.constant 512 : i32
    %dma_start3A_21 = arith.constant 0 : i32
    %dma_start3A_22 = tpu.memref_slice %arg2[%dma_start3A_20, %dma_start3A_21] : memref<4096x1024xf32, #tpu.memory_space<vmem>> -> memref<512x1024xf32, #tpu.memory_space<vmem>>
    %dma_start3A_23 = arith.constant 512 : i32
    %dma_start3A_24 = arith.constant 0 : i32
    %dma_start3A_25 = tpu.memref_slice %arg0[%dma_start3A_23, %dma_start3A_24] : memref<8192x1024xf32, #tpu.memory_space<any>> -> memref<512x1024xf32, #tpu.memory_space<any>>
    tpu.enqueue_dma source(%dma_start3A_25 : memref<512x1024xf32, #tpu.memory_space<any>>) target(%dma_start3A_22 : memref<512x1024xf32, #tpu.memory_space<vmem>>) target_semaphore(%dma_start3A_19 : memref<!tpu.dma_semaphore, #tpu.memory_space<semaphore_mem>>)
    %dma_start3A_26 = arith.constant 3 : i32
    %dma_start3A_27 = tpu.memref_slice %arg3[%dma_start3A_26] : memref<5x!tpu.dma_semaphore, #tpu.memory_space<semaphore_mem>> -> memref<1x!tpu.dma_semaphore, #tpu.memory_space<semaphore_mem>>
    %dma_start3A_28 = tpu.memref_squeeze %dma_start3A_27 : memref<1x!tpu.dma_semaphore, #tpu.memory_space<semaphore_mem>> -> memref<!tpu.dma_semaphore, #tpu.memory_space<semaphore_mem>>
    %dma_start3A_29 = arith.constant 1024 : i32
    %dma_start3A_30 = arith.constant 0 : i32
    %dma_start3A_31 = tpu.memref_slice %arg2[%dma_start3A_29, %dma_start3A_30] : memref<4096x1024xf32, #tpu.memory_space<vmem>> -> memref<1024x1024xf32, #tpu.memory_space<vmem>>
    %dma_start3A_32 = arith.constant 1024 : i32
    %dma_start3A_33 = arith.constant 0 : i32
    %dma_start3A_34 = tpu.memref_slice %arg0[%dma_start3A_32, %dma_start3A_33] : memref<8192x1024xf32, #tpu.memory_space<any>> -> memref<1024x1024xf32, #tpu.memory_space<any>>
    tpu.enqueue_dma source(%dma_start3A_34 : memref<1024x1024xf32, #tpu.memory_space<any>>) target(%dma_start3A_31 : memref<1024x1024xf32, #tpu.memory_space<vmem>>) target_semaphore(%dma_start3A_28 : memref<!tpu.dma_semaphore, #tpu.memory_space<semaphore_mem>>)
    %dma_start3A_35 = arith.constant 4 : i32
    %dma_start3A_36 = tpu.memref_slice %arg3[%dma_start3A_35] : memref<5x!tpu.dma_semaphore, #tpu.memory_space<semaphore_mem>> -> memref<1x!tpu.dma_semaphore, #tpu.memory_space<semaphore_mem>>
    %dma_start3A_37 = tpu.memref_squeeze %dma_start3A_36 : memref<1x!tpu.dma_semaphore, #tpu.memory_space<semaphore_mem>> -> memref<!tpu.dma_semaphore, #tpu.memory_space<semaphore_mem>>
    %dma_start3A_38 = arith.constant 2048 : i32
    %dma_start3A_39 = arith.constant 0 : i32
    %dma_start3A_40 = tpu.memref_slice %arg2[%dma_start3A_38, %dma_start3A_39] : memref<4096x1024xf32, #tpu.memory_space<vmem>> -> memref<2048x1024xf32, #tpu.memory_space<vmem>>
    %dma_start3A_41 = arith.constant 2048 : i32
    %dma_start3A_42 = arith.constant 0 : i32
    %dma_start3A_43 = tpu.memref_slice %arg0[%dma_start3A_41, %dma_start3A_42] : memref<8192x1024xf32, #tpu.memory_space<any>> -> memref<2048x1024xf32, #tpu.memory_space<any>>
    tpu.enqueue_dma source(%dma_start3A_43 : memref<2048x1024xf32, #tpu.memory_space<any>>) target(%dma_start3A_40 : memref<2048x1024xf32, #tpu.memory_space<vmem>>) target_semaphore(%dma_start3A_37 : memref<!tpu.dma_semaphore, #tpu.memory_space<semaphore_mem>>)
    %dma_wait3A = arith.constant 0 : i32
    %dma_wait3A_44 = tpu.memref_slice %arg3[%dma_wait3A] : memref<5x!tpu.dma_semaphore, #tpu.memory_space<semaphore_mem>> -> memref<1x!tpu.dma_semaphore, #tpu.memory_space<semaphore_mem>>
    %dma_wait3A_45 = tpu.memref_squeeze %dma_wait3A_44 : memref<1x!tpu.dma_semaphore, #tpu.memory_space<semaphore_mem>> -> memref<!tpu.dma_semaphore, #tpu.memory_space<semaphore_mem>>
    %dma_wait3A_46 = arith.constant 0 : i32
    %dma_wait3A_47 = arith.constant 0 : i32
    %dma_wait3A_48 = tpu.memref_slice %arg2[%dma_wait3A_46, %dma_wait3A_47] : memref<4096x1024xf32, #tpu.memory_space<vmem>> -> memref<256x1024xf32, #tpu.memory_space<vmem>>
    %dma_wait3A_49 = arith.constant 0 : i32
    %dma_wait3A_50 = arith.constant 0 : i32
    %dma_wait3A_51 = tpu.memref_slice %arg0[%dma_wait3A_49, %dma_wait3A_50] : memref<8192x1024xf32, #tpu.memory_space<any>> -> memref<256x1024xf32, #tpu.memory_space<any>>
    tpu.wait_dma2 semaphore(%dma_wait3A_45 : memref<!tpu.dma_semaphore, #tpu.memory_space<semaphore_mem>>) src(%dma_wait3A_51 : memref<256x1024xf32, #tpu.memory_space<any>>) dst(%dma_wait3A_48 : memref<256x1024xf32, #tpu.memory_space<vmem>>)
    %dma_start3A_52 = arith.constant 0 : i32
    %dma_start3A_53 = arith.constant 0 : i32
    %dma_start3A_54 = arith.constant 0 : i32
    %dma_start3A_55 = tpu.memref_slice %arg4[%dma_start3A_53, %dma_start3A_54] : memref<5x3x!tpu.dma_semaphore, #tpu.memory_space<semaphore_mem>> -> memref<1x1x!tpu.dma_semaphore, #tpu.memory_space<semaphore_mem>>
    %dma_start3A_56 = tpu.memref_squeeze %dma_start3A_55 : memref<1x1x!tpu.dma_semaphore, #tpu.memory_space<semaphore_mem>> -> memref<!tpu.dma_semaphore, #tpu.memory_space<semaphore_mem>>
    %dma_start3A_57 = arith.constant 0 : i32
    %dma_start3A_58 = arith.constant 0 : i32
    %dma_start3A_59 = tpu.memref_slice %arg1[%dma_start3A_52, %dma_start3A_57, %dma_start3A_58] : memref<3x4096x1024xf32, #tpu.memory_space<any>> -> memref<1x256x1024xf32, #tpu.memory_space<any>>
    %dma_start3A_60 = tpu.memref_squeeze %dma_start3A_59 : memref<1x256x1024xf32, #tpu.memory_space<any>> -> memref<256x1024xf32, #tpu.memory_space<any>>
    %dma_start3A_61 = arith.constant 0 : i32
    %dma_start3A_62 = arith.constant 0 : i32
    %dma_start3A_63 = tpu.memref_slice %arg2[%dma_start3A_61, %dma_start3A_62] : memref<4096x1024xf32, #tpu.memory_space<vmem>> -> memref<256x1024xf32, #tpu.memory_space<vmem>>
    tpu.enqueue_dma source(%dma_start3A_63 : memref<256x1024xf32, #tpu.memory_space<vmem>>) target(%dma_start3A_60 : memref<256x1024xf32, #tpu.memory_space<any>>) target_semaphore(%dma_start3A_56 : memref<!tpu.dma_semaphore, #tpu.memory_space<semaphore_mem>>)
    %dma_start3A_64 = arith.constant 1 : i32
    %dma_start3A_65 = arith.constant 0 : i32
    %dma_start3A_66 = arith.constant 1 : i32
    %dma_start3A_67 = tpu.memref_slice %arg4[%dma_start3A_65, %dma_start3A_66] : memref<5x3x!tpu.dma_semaphore, #tpu.memory_space<semaphore_mem>> -> memref<1x1x!tpu.dma_semaphore, #tpu.memory_space<semaphore_mem>>
    %dma_start3A_68 = tpu.memref_squeeze %dma_start3A_67 : memref<1x1x!tpu.dma_semaphore, #tpu.memory_space<semaphore_mem>> -> memref<!tpu.dma_semaphore, #tpu.memory_space<semaphore_mem>>
    %dma_start3A_69 = arith.constant 0 : i32
    %dma_start3A_70 = arith.constant 0 : i32
    %dma_start3A_71 = tpu.memref_slice %arg1[%dma_start3A_64, %dma_start3A_69, %dma_start3A_70] : memref<3x4096x1024xf32, #tpu.memory_space<any>> -> memref<1x256x1024xf32, #tpu.memory_space<any>>
    %dma_start3A_72 = tpu.memref_squeeze %dma_start3A_71 : memref<1x256x1024xf32, #tpu.memory_space<any>> -> memref<256x1024xf32, #tpu.memory_space<any>>
    %dma_start3A_73 = arith.constant 0 : i32
    %dma_start3A_74 = arith.constant 0 : i32
    %dma_start3A_75 = tpu.memref_slice %arg2[%dma_start3A_73, %dma_start3A_74] : memref<4096x1024xf32, #tpu.memory_space<vmem>> -> memref<256x1024xf32, #tpu.memory_space<vmem>>
    tpu.enqueue_dma source(%dma_start3A_75 : memref<256x1024xf32, #tpu.memory_space<vmem>>) target(%dma_start3A_72 : memref<256x1024xf32, #tpu.memory_space<any>>) target_semaphore(%dma_start3A_68 : memref<!tpu.dma_semaphore, #tpu.memory_space<semaphore_mem>>)
    %dma_start3A_76 = arith.constant 2 : i32
    %dma_start3A_77 = arith.constant 0 : i32
    %dma_start3A_78 = arith.constant 2 : i32
    %dma_start3A_79 = tpu.memref_slice %arg4[%dma_start3A_77, %dma_start3A_78] : memref<5x3x!tpu.dma_semaphore, #tpu.memory_space<semaphore_mem>> -> memref<1x1x!tpu.dma_semaphore, #tpu.memory_space<semaphore_mem>>
    %dma_start3A_80 = tpu.memref_squeeze %dma_start3A_79 : memref<1x1x!tpu.dma_semaphore, #tpu.memory_space<semaphore_mem>> -> memref<!tpu.dma_semaphore, #tpu.memory_space<semaphore_mem>>
    %dma_start3A_81 = arith.constant 0 : i32
    %dma_start3A_82 = arith.constant 0 : i32
    %dma_start3A_83 = tpu.memref_slice %arg1[%dma_start3A_76, %dma_start3A_81, %dma_start3A_82] : memref<3x4096x1024xf32, #tpu.memory_space<any>> -> memref<1x256x1024xf32, #tpu.memory_space<any>>
    %dma_start3A_84 = tpu.memref_squeeze %dma_start3A_83 : memref<1x256x1024xf32, #tpu.memory_space<any>> -> memref<256x1024xf32, #tpu.memory_space<any>>
    %dma_start3A_85 = arith.constant 0 : i32
    %dma_start3A_86 = arith.constant 0 : i32
    %dma_start3A_87 = tpu.memref_slice %arg2[%dma_start3A_85, %dma_start3A_86] : memref<4096x1024xf32, #tpu.memory_space<vmem>> -> memref<256x1024xf32, #tpu.memory_space<vmem>>
    tpu.enqueue_dma source(%dma_start3A_87 : memref<256x1024xf32, #tpu.memory_space<vmem>>) target(%dma_start3A_84 : memref<256x1024xf32, #tpu.memory_space<any>>) target_semaphore(%dma_start3A_80 : memref<!tpu.dma_semaphore, #tpu.memory_space<semaphore_mem>>)
    %dma_wait3A_88 = arith.constant 1 : i32
    %dma_wait3A_89 = tpu.memref_slice %arg3[%dma_wait3A_88] : memref<5x!tpu.dma_semaphore, #tpu.memory_space<semaphore_mem>> -> memref<1x!tpu.dma_semaphore, #tpu.memory_space<semaphore_mem>>
    %dma_wait3A_90 = tpu.memref_squeeze %dma_wait3A_89 : memref<1x!tpu.dma_semaphore, #tpu.memory_space<semaphore_mem>> -> memref<!tpu.dma_semaphore, #tpu.memory_space<semaphore_mem>>
    %dma_wait3A_91 = arith.constant 256 : i32
    %dma_wait3A_92 = arith.constant 0 : i32
    %dma_wait3A_93 = tpu.memref_slice %arg2[%dma_wait3A_91, %dma_wait3A_92] : memref<4096x1024xf32, #tpu.memory_space<vmem>> -> memref<256x1024xf32, #tpu.memory_space<vmem>>
    %dma_wait3A_94 = arith.constant 256 : i32
    %dma_wait3A_95 = arith.constant 0 : i32
    %dma_wait3A_96 = tpu.memref_slice %arg0[%dma_wait3A_94, %dma_wait3A_95] : memref<8192x1024xf32, #tpu.memory_space<any>> -> memref<256x1024xf32, #tpu.memory_space<any>>
    tpu.wait_dma2 semaphore(%dma_wait3A_90 : memref<!tpu.dma_semaphore, #tpu.memory_space<semaphore_mem>>) src(%dma_wait3A_96 : memref<256x1024xf32, #tpu.memory_space<any>>) dst(%dma_wait3A_93 : memref<256x1024xf32, #tpu.memory_space<vmem>>)
    %dma_start3A_97 = arith.constant 0 : i32
    %dma_start3A_98 = arith.constant 1 : i32
    %dma_start3A_99 = arith.constant 0 : i32
    %dma_start3A_100 = tpu.memref_slice %arg4[%dma_start3A_98, %dma_start3A_99] : memref<5x3x!tpu.dma_semaphore, #tpu.memory_space<semaphore_mem>> -> memref<1x1x!tpu.dma_semaphore, #tpu.memory_space<semaphore_mem>>
    %dma_start3A_101 = tpu.memref_squeeze %dma_start3A_100 : memref<1x1x!tpu.dma_semaphore, #tpu.memory_space<semaphore_mem>> -> memref<!tpu.dma_semaphore, #tpu.memory_space<semaphore_mem>>
    %dma_start3A_102 = arith.constant 256 : i32
    %dma_start3A_103 = arith.constant 0 : i32
    %dma_start3A_104 = tpu.memref_slice %arg1[%dma_start3A_97, %dma_start3A_102, %dma_start3A_103] : memref<3x4096x1024xf32, #tpu.memory_space<any>> -> memref<1x256x1024xf32, #tpu.memory_space<any>>
    %dma_start3A_105 = tpu.memref_squeeze %dma_start3A_104 : memref<1x256x1024xf32, #tpu.memory_space<any>> -> memref<256x1024xf32, #tpu.memory_space<any>>
    %dma_start3A_106 = arith.constant 256 : i32
    %dma_start3A_107 = arith.constant 0 : i32
    %dma_start3A_108 = tpu.memref_slice %arg2[%dma_start3A_106, %dma_start3A_107] : memref<4096x1024xf32, #tpu.memory_space<vmem>> -> memref<256x1024xf32, #tpu.memory_space<vmem>>
    tpu.enqueue_dma source(%dma_start3A_108 : memref<256x1024xf32, #tpu.memory_space<vmem>>) target(%dma_start3A_105 : memref<256x1024xf32, #tpu.memory_space<any>>) target_semaphore(%dma_start3A_101 : memref<!tpu.dma_semaphore, #tpu.memory_space<semaphore_mem>>)
    %dma_start3A_109 = arith.constant 1 : i32
    %dma_start3A_110 = arith.constant 1 : i32
    %dma_start3A_111 = arith.constant 1 : i32
    %dma_start3A_112 = tpu.memref_slice %arg4[%dma_start3A_110, %dma_start3A_111] : memref<5x3x!tpu.dma_semaphore, #tpu.memory_space<semaphore_mem>> -> memref<1x1x!tpu.dma_semaphore, #tpu.memory_space<semaphore_mem>>
    %dma_start3A_113 = tpu.memref_squeeze %dma_start3A_112 : memref<1x1x!tpu.dma_semaphore, #tpu.memory_space<semaphore_mem>> -> memref<!tpu.dma_semaphore, #tpu.memory_space<semaphore_mem>>
    %dma_start3A_114 = arith.constant 256 : i32
    %dma_start3A_115 = arith.constant 0 : i32
    %dma_start3A_116 = tpu.memref_slice %arg1[%dma_start3A_109, %dma_start3A_114, %dma_start3A_115] : memref<3x4096x1024xf32, #tpu.memory_space<any>> -> memref<1x256x1024xf32, #tpu.memory_space<any>>
    %dma_start3A_117 = tpu.memref_squeeze %dma_start3A_116 : memref<1x256x1024xf32, #tpu.memory_space<any>> -> memref<256x1024xf32, #tpu.memory_space<any>>
    %dma_start3A_118 = arith.constant 256 : i32
    %dma_start3A_119 = arith.constant 0 : i32
    %dma_start3A_120 = tpu.memref_slice %arg2[%dma_start3A_118, %dma_start3A_119] : memref<4096x1024xf32, #tpu.memory_space<vmem>> -> memref<256x1024xf32, #tpu.memory_space<vmem>>
    tpu.enqueue_dma source(%dma_start3A_120 : memref<256x1024xf32, #tpu.memory_space<vmem>>) target(%dma_start3A_117 : memref<256x1024xf32, #tpu.memory_space<any>>) target_semaphore(%dma_start3A_113 : memref<!tpu.dma_semaphore, #tpu.memory_space<semaphore_mem>>)
    %dma_start3A_121 = arith.constant 2 : i32
    %dma_start3A_122 = arith.constant 1 : i32
    %dma_start3A_123 = arith.constant 2 : i32
    %dma_start3A_124 = tpu.memref_slice %arg4[%dma_start3A_122, %dma_start3A_123] : memref<5x3x!tpu.dma_semaphore, #tpu.memory_space<semaphore_mem>> -> memref<1x1x!tpu.dma_semaphore, #tpu.memory_space<semaphore_mem>>
    %dma_start3A_125 = tpu.memref_squeeze %dma_start3A_124 : memref<1x1x!tpu.dma_semaphore, #tpu.memory_space<semaphore_mem>> -> memref<!tpu.dma_semaphore, #tpu.memory_space<semaphore_mem>>
    %dma_start3A_126 = arith.constant 256 : i32
    %dma_start3A_127 = arith.constant 0 : i32
    %dma_start3A_128 = tpu.memref_slice %arg1[%dma_start3A_121, %dma_start3A_126, %dma_start3A_127] : memref<3x4096x1024xf32, #tpu.memory_space<any>> -> memref<1x256x1024xf32, #tpu.memory_space<any>>
    %dma_start3A_129 = tpu.memref_squeeze %dma_start3A_128 : memref<1x256x1024xf32, #tpu.memory_space<any>> -> memref<256x1024xf32, #tpu.memory_space<any>>
    %dma_start3A_130 = arith.constant 256 : i32
    %dma_start3A_131 = arith.constant 0 : i32
    %dma_start3A_132 = tpu.memref_slice %arg2[%dma_start3A_130, %dma_start3A_131] : memref<4096x1024xf32, #tpu.memory_space<vmem>> -> memref<256x1024xf32, #tpu.memory_space<vmem>>
    tpu.enqueue_dma source(%dma_start3A_132 : memref<256x1024xf32, #tpu.memory_space<vmem>>) target(%dma_start3A_129 : memref<256x1024xf32, #tpu.memory_space<any>>) target_semaphore(%dma_start3A_125 : memref<!tpu.dma_semaphore, #tpu.memory_space<semaphore_mem>>)
    %dma_wait3A_133 = arith.constant 2 : i32
    %dma_wait3A_134 = tpu.memref_slice %arg3[%dma_wait3A_133] : memref<5x!tpu.dma_semaphore, #tpu.memory_space<semaphore_mem>> -> memref<1x!tpu.dma_semaphore, #tpu.memory_space<semaphore_mem>>
    %dma_wait3A_135 = tpu.memref_squeeze %dma_wait3A_134 : memref<1x!tpu.dma_semaphore, #tpu.memory_space<semaphore_mem>> -> memref<!tpu.dma_semaphore, #tpu.memory_space<semaphore_mem>>
    %dma_wait3A_136 = arith.constant 512 : i32
    %dma_wait3A_137 = arith.constant 0 : i32
    %dma_wait3A_138 = tpu.memref_slice %arg2[%dma_wait3A_136, %dma_wait3A_137] : memref<4096x1024xf32, #tpu.memory_space<vmem>> -> memref<512x1024xf32, #tpu.memory_space<vmem>>
    %dma_wait3A_139 = arith.constant 512 : i32
    %dma_wait3A_140 = arith.constant 0 : i32
    %dma_wait3A_141 = tpu.memref_slice %arg0[%dma_wait3A_139, %dma_wait3A_140] : memref<8192x1024xf32, #tpu.memory_space<any>> -> memref<512x1024xf32, #tpu.memory_space<any>>
    tpu.wait_dma2 semaphore(%dma_wait3A_135 : memref<!tpu.dma_semaphore, #tpu.memory_space<semaphore_mem>>) src(%dma_wait3A_141 : memref<512x1024xf32, #tpu.memory_space<any>>) dst(%dma_wait3A_138 : memref<512x1024xf32, #tpu.memory_space<vmem>>)
    %dma_start3A_142 = arith.constant 0 : i32
    %dma_start3A_143 = arith.constant 2 : i32
    %dma_start3A_144 = arith.constant 0 : i32
    %dma_start3A_145 = tpu.memref_slice %arg4[%dma_start3A_143, %dma_start3A_144] : memref<5x3x!tpu.dma_semaphore, #tpu.memory_space<semaphore_mem>> -> memref<1x1x!tpu.dma_semaphore, #tpu.memory_space<semaphore_mem>>
    %dma_start3A_146 = tpu.memref_squeeze %dma_start3A_145 : memref<1x1x!tpu.dma_semaphore, #tpu.memory_space<semaphore_mem>> -> memref<!tpu.dma_semaphore, #tpu.memory_space<semaphore_mem>>
    %dma_start3A_147 = arith.constant 512 : i32
    %dma_start3A_148 = arith.constant 0 : i32
    %dma_start3A_149 = tpu.memref_slice %arg1[%dma_start3A_142, %dma_start3A_147, %dma_start3A_148] : memref<3x4096x1024xf32, #tpu.memory_space<any>> -> memref<1x512x1024xf32, #tpu.memory_space<any>>
    %dma_start3A_150 = tpu.memref_squeeze %dma_start3A_149 : memref<1x512x1024xf32, #tpu.memory_space<any>> -> memref<512x1024xf32, #tpu.memory_space<any>>
    %dma_start3A_151 = arith.constant 512 : i32
    %dma_start3A_152 = arith.constant 0 : i32
    %dma_start3A_153 = tpu.memref_slice %arg2[%dma_start3A_151, %dma_start3A_152] : memref<4096x1024xf32, #tpu.memory_space<vmem>> -> memref<512x1024xf32, #tpu.memory_space<vmem>>
    tpu.enqueue_dma source(%dma_start3A_153 : memref<512x1024xf32, #tpu.memory_space<vmem>>) target(%dma_start3A_150 : memref<512x1024xf32, #tpu.memory_space<any>>) target_semaphore(%dma_start3A_146 : memref<!tpu.dma_semaphore, #tpu.memory_space<semaphore_mem>>)
    %dma_start3A_154 = arith.constant 1 : i32
    %dma_start3A_155 = arith.constant 2 : i32
    %dma_start3A_156 = arith.constant 1 : i32
    %dma_start3A_157 = tpu.memref_slice %arg4[%dma_start3A_155, %dma_start3A_156] : memref<5x3x!tpu.dma_semaphore, #tpu.memory_space<semaphore_mem>> -> memref<1x1x!tpu.dma_semaphore, #tpu.memory_space<semaphore_mem>>
    %dma_start3A_158 = tpu.memref_squeeze %dma_start3A_157 : memref<1x1x!tpu.dma_semaphore, #tpu.memory_space<semaphore_mem>> -> memref<!tpu.dma_semaphore, #tpu.memory_space<semaphore_mem>>
    %dma_start3A_159 = arith.constant 512 : i32
    %dma_start3A_160 = arith.constant 0 : i32
    %dma_start3A_161 = tpu.memref_slice %arg1[%dma_start3A_154, %dma_start3A_159, %dma_start3A_160] : memref<3x4096x1024xf32, #tpu.memory_space<any>> -> memref<1x512x1024xf32, #tpu.memory_space<any>>
    %dma_start3A_162 = tpu.memref_squeeze %dma_start3A_161 : memref<1x512x1024xf32, #tpu.memory_space<any>> -> memref<512x1024xf32, #tpu.memory_space<any>>
    %dma_start3A_163 = arith.constant 512 : i32
    %dma_start3A_164 = arith.constant 0 : i32
    %dma_start3A_165 = tpu.memref_slice %arg2[%dma_start3A_163, %dma_start3A_164] : memref<4096x1024xf32, #tpu.memory_space<vmem>> -> memref<512x1024xf32, #tpu.memory_space<vmem>>
    tpu.enqueue_dma source(%dma_start3A_165 : memref<512x1024xf32, #tpu.memory_space<vmem>>) target(%dma_start3A_162 : memref<512x1024xf32, #tpu.memory_space<any>>) target_semaphore(%dma_start3A_158 : memref<!tpu.dma_semaphore, #tpu.memory_space<semaphore_mem>>)
    %dma_start3A_166 = arith.constant 2 : i32
    %dma_start3A_167 = arith.constant 2 : i32
    %dma_start3A_168 = arith.constant 2 : i32
    %dma_start3A_169 = tpu.memref_slice %arg4[%dma_start3A_167, %dma_start3A_168] : memref<5x3x!tpu.dma_semaphore, #tpu.memory_space<semaphore_mem>> -> memref<1x1x!tpu.dma_semaphore, #tpu.memory_space<semaphore_mem>>
    %dma_start3A_170 = tpu.memref_squeeze %dma_start3A_169 : memref<1x1x!tpu.dma_semaphore, #tpu.memory_space<semaphore_mem>> -> memref<!tpu.dma_semaphore, #tpu.memory_space<semaphore_mem>>
    %dma_start3A_171 = arith.constant 512 : i32
    %dma_start3A_172 = arith.constant 0 : i32
    %dma_start3A_173 = tpu.memref_slice %arg1[%dma_start3A_166, %dma_start3A_171, %dma_start3A_172] : memref<3x4096x1024xf32, #tpu.memory_space<any>> -> memref<1x512x1024xf32, #tpu.memory_space<any>>
    %dma_start3A_174 = tpu.memref_squeeze %dma_start3A_173 : memref<1x512x1024xf32, #tpu.memory_space<any>> -> memref<512x1024xf32, #tpu.memory_space<any>>
    %dma_start3A_175 = arith.constant 512 : i32
    %dma_start3A_176 = arith.constant 0 : i32
    %dma_start3A_177 = tpu.memref_slice %arg2[%dma_start3A_175, %dma_start3A_176] : memref<4096x1024xf32, #tpu.memory_space<vmem>> -> memref<512x1024xf32, #tpu.memory_space<vmem>>
    tpu.enqueue_dma source(%dma_start3A_177 : memref<512x1024xf32, #tpu.memory_space<vmem>>) target(%dma_start3A_174 : memref<512x1024xf32, #tpu.memory_space<any>>) target_semaphore(%dma_start3A_170 : memref<!tpu.dma_semaphore, #tpu.memory_space<semaphore_mem>>)
    %dma_wait3A_178 = arith.constant 3 : i32
    %dma_wait3A_179 = tpu.memref_slice %arg3[%dma_wait3A_178] : memref<5x!tpu.dma_semaphore, #tpu.memory_space<semaphore_mem>> -> memref<1x!tpu.dma_semaphore, #tpu.memory_space<semaphore_mem>>
    %dma_wait3A_180 = tpu.memref_squeeze %dma_wait3A_179 : memref<1x!tpu.dma_semaphore, #tpu.memory_space<semaphore_mem>> -> memref<!tpu.dma_semaphore, #tpu.memory_space<semaphore_mem>>
    %dma_wait3A_181 = arith.constant 1024 : i32
    %dma_wait3A_182 = arith.constant 0 : i32
    %dma_wait3A_183 = tpu.memref_slice %arg2[%dma_wait3A_181, %dma_wait3A_182] : memref<4096x1024xf32, #tpu.memory_space<vmem>> -> memref<1024x1024xf32, #tpu.memory_space<vmem>>
    %dma_wait3A_184 = arith.constant 1024 : i32
    %dma_wait3A_185 = arith.constant 0 : i32
    %dma_wait3A_186 = tpu.memref_slice %arg0[%dma_wait3A_184, %dma_wait3A_185] : memref<8192x1024xf32, #tpu.memory_space<any>> -> memref<1024x1024xf32, #tpu.memory_space<any>>
    tpu.wait_dma2 semaphore(%dma_wait3A_180 : memref<!tpu.dma_semaphore, #tpu.memory_space<semaphore_mem>>) src(%dma_wait3A_186 : memref<1024x1024xf32, #tpu.memory_space<any>>) dst(%dma_wait3A_183 : memref<1024x1024xf32, #tpu.memory_space<vmem>>)
    %dma_start3A_187 = arith.constant 0 : i32
    %dma_start3A_188 = arith.constant 3 : i32
    %dma_start3A_189 = arith.constant 0 : i32
    %dma_start3A_190 = tpu.memref_slice %arg4[%dma_start3A_188, %dma_start3A_189] : memref<5x3x!tpu.dma_semaphore, #tpu.memory_space<semaphore_mem>> -> memref<1x1x!tpu.dma_semaphore, #tpu.memory_space<semaphore_mem>>
    %dma_start3A_191 = tpu.memref_squeeze %dma_start3A_190 : memref<1x1x!tpu.dma_semaphore, #tpu.memory_space<semaphore_mem>> -> memref<!tpu.dma_semaphore, #tpu.memory_space<semaphore_mem>>
    %dma_start3A_192 = arith.constant 1024 : i32
    %dma_start3A_193 = arith.constant 0 : i32
    %dma_start3A_194 = tpu.memref_slice %arg1[%dma_start3A_187, %dma_start3A_192, %dma_start3A_193] : memref<3x4096x1024xf32, #tpu.memory_space<any>> -> memref<1x1024x1024xf32, #tpu.memory_space<any>>
    %dma_start3A_195 = tpu.memref_squeeze %dma_start3A_194 : memref<1x1024x1024xf32, #tpu.memory_space<any>> -> memref<1024x1024xf32, #tpu.memory_space<any>>
    %dma_start3A_196 = arith.constant 1024 : i32
    %dma_start3A_197 = arith.constant 0 : i32
    %dma_start3A_198 = tpu.memref_slice %arg2[%dma_start3A_196, %dma_start3A_197] : memref<4096x1024xf32, #tpu.memory_space<vmem>> -> memref<1024x1024xf32, #tpu.memory_space<vmem>>
    tpu.enqueue_dma source(%dma_start3A_198 : memref<1024x1024xf32, #tpu.memory_space<vmem>>) target(%dma_start3A_195 : memref<1024x1024xf32, #tpu.memory_space<any>>) target_semaphore(%dma_start3A_191 : memref<!tpu.dma_semaphore, #tpu.memory_space<semaphore_mem>>)
    %dma_start3A_199 = arith.constant 1 : i32
    %dma_start3A_200 = arith.constant 3 : i32
    %dma_start3A_201 = arith.constant 1 : i32
    %dma_start3A_202 = tpu.memref_slice %arg4[%dma_start3A_200, %dma_start3A_201] : memref<5x3x!tpu.dma_semaphore, #tpu.memory_space<semaphore_mem>> -> memref<1x1x!tpu.dma_semaphore, #tpu.memory_space<semaphore_mem>>
    %dma_start3A_203 = tpu.memref_squeeze %dma_start3A_202 : memref<1x1x!tpu.dma_semaphore, #tpu.memory_space<semaphore_mem>> -> memref<!tpu.dma_semaphore, #tpu.memory_space<semaphore_mem>>
    %dma_start3A_204 = arith.constant 1024 : i32
    %dma_start3A_205 = arith.constant 0 : i32
    %dma_start3A_206 = tpu.memref_slice %arg1[%dma_start3A_199, %dma_start3A_204, %dma_start3A_205] : memref<3x4096x1024xf32, #tpu.memory_space<any>> -> memref<1x1024x1024xf32, #tpu.memory_space<any>>
    %dma_start3A_207 = tpu.memref_squeeze %dma_start3A_206 : memref<1x1024x1024xf32, #tpu.memory_space<any>> -> memref<1024x1024xf32, #tpu.memory_space<any>>
    %dma_start3A_208 = arith.constant 1024 : i32
    %dma_start3A_209 = arith.constant 0 : i32
    %dma_start3A_210 = tpu.memref_slice %arg2[%dma_start3A_208, %dma_start3A_209] : memref<4096x1024xf32, #tpu.memory_space<vmem>> -> memref<1024x1024xf32, #tpu.memory_space<vmem>>
    tpu.enqueue_dma source(%dma_start3A_210 : memref<1024x1024xf32, #tpu.memory_space<vmem>>) target(%dma_start3A_207 : memref<1024x1024xf32, #tpu.memory_space<any>>) target_semaphore(%dma_start3A_203 : memref<!tpu.dma_semaphore, #tpu.memory_space<semaphore_mem>>)
    %dma_start3A_211 = arith.constant 2 : i32
    %dma_start3A_212 = arith.constant 3 : i32
    %dma_start3A_213 = arith.constant 2 : i32
    %dma_start3A_214 = tpu.memref_slice %arg4[%dma_start3A_212, %dma_start3A_213] : memref<5x3x!tpu.dma_semaphore, #tpu.memory_space<semaphore_mem>> -> memref<1x1x!tpu.dma_semaphore, #tpu.memory_space<semaphore_mem>>
    %dma_start3A_215 = tpu.memref_squeeze %dma_start3A_214 : memref<1x1x!tpu.dma_semaphore, #tpu.memory_space<semaphore_mem>> -> memref<!tpu.dma_semaphore, #tpu.memory_space<semaphore_mem>>
    %dma_start3A_216 = arith.constant 1024 : i32
    %dma_start3A_217 = arith.constant 0 : i32
    %dma_start3A_218 = tpu.memref_slice %arg1[%dma_start3A_211, %dma_start3A_216, %dma_start3A_217] : memref<3x4096x1024xf32, #tpu.memory_space<any>> -> memref<1x1024x1024xf32, #tpu.memory_space<any>>
    %dma_start3A_219 = tpu.memref_squeeze %dma_start3A_218 : memref<1x1024x1024xf32, #tpu.memory_space<any>> -> memref<1024x1024xf32, #tpu.memory_space<any>>
    %dma_start3A_220 = arith.constant 1024 : i32
    %dma_start3A_221 = arith.constant 0 : i32
    %dma_start3A_222 = tpu.memref_slice %arg2[%dma_start3A_220, %dma_start3A_221] : memref<4096x1024xf32, #tpu.memory_space<vmem>> -> memref<1024x1024xf32, #tpu.memory_space<vmem>>
    tpu.enqueue_dma source(%dma_start3A_222 : memref<1024x1024xf32, #tpu.memory_space<vmem>>) target(%dma_start3A_219 : memref<1024x1024xf32, #tpu.memory_space<any>>) target_semaphore(%dma_start3A_215 : memref<!tpu.dma_semaphore, #tpu.memory_space<semaphore_mem>>)
    %dma_wait3A_223 = arith.constant 4 : i32
    %dma_wait3A_224 = tpu.memref_slice %arg3[%dma_wait3A_223] : memref<5x!tpu.dma_semaphore, #tpu.memory_space<semaphore_mem>> -> memref<1x!tpu.dma_semaphore, #tpu.memory_space<semaphore_mem>>
    %dma_wait3A_225 = tpu.memref_squeeze %dma_wait3A_224 : memref<1x!tpu.dma_semaphore, #tpu.memory_space<semaphore_mem>> -> memref<!tpu.dma_semaphore, #tpu.memory_space<semaphore_mem>>
    %dma_wait3A_226 = arith.constant 2048 : i32
    %dma_wait3A_227 = arith.constant 0 : i32
    %dma_wait3A_228 = tpu.memref_slice %arg2[%dma_wait3A_226, %dma_wait3A_227] : memref<4096x1024xf32, #tpu.memory_space<vmem>> -> memref<2048x1024xf32, #tpu.memory_space<vmem>>
    %dma_wait3A_229 = arith.constant 2048 : i32
    %dma_wait3A_230 = arith.constant 0 : i32
    %dma_wait3A_231 = tpu.memref_slice %arg0[%dma_wait3A_229, %dma_wait3A_230] : memref<8192x1024xf32, #tpu.memory_space<any>> -> memref<2048x1024xf32, #tpu.memory_space<any>>
    tpu.wait_dma2 semaphore(%dma_wait3A_225 : memref<!tpu.dma_semaphore, #tpu.memory_space<semaphore_mem>>) src(%dma_wait3A_231 : memref<2048x1024xf32, #tpu.memory_space<any>>) dst(%dma_wait3A_228 : memref<2048x1024xf32, #tpu.memory_space<vmem>>)
    %dma_start3A_232 = arith.constant 0 : i32
    %dma_start3A_233 = arith.constant 4 : i32
    %dma_start3A_234 = arith.constant 0 : i32
    %dma_start3A_235 = tpu.memref_slice %arg4[%dma_start3A_233, %dma_start3A_234] : memref<5x3x!tpu.dma_semaphore, #tpu.memory_space<semaphore_mem>> -> memref<1x1x!tpu.dma_semaphore, #tpu.memory_space<semaphore_mem>>
    %dma_start3A_236 = tpu.memref_squeeze %dma_start3A_235 : memref<1x1x!tpu.dma_semaphore, #tpu.memory_space<semaphore_mem>> -> memref<!tpu.dma_semaphore, #tpu.memory_space<semaphore_mem>>
    %dma_start3A_237 = arith.constant 2048 : i32
    %dma_start3A_238 = arith.constant 0 : i32
    %dma_start3A_239 = tpu.memref_slice %arg1[%dma_start3A_232, %dma_start3A_237, %dma_start3A_238] : memref<3x4096x1024xf32, #tpu.memory_space<any>> -> memref<1x2048x1024xf32, #tpu.memory_space<any>>
    %dma_start3A_240 = tpu.memref_squeeze %dma_start3A_239 : memref<1x2048x1024xf32, #tpu.memory_space<any>> -> memref<2048x1024xf32, #tpu.memory_space<any>>
    %dma_start3A_241 = arith.constant 2048 : i32
    %dma_start3A_242 = arith.constant 0 : i32
    %dma_start3A_243 = tpu.memref_slice %arg2[%dma_start3A_241, %dma_start3A_242] : memref<4096x1024xf32, #tpu.memory_space<vmem>> -> memref<2048x1024xf32, #tpu.memory_space<vmem>>
    tpu.enqueue_dma source(%dma_start3A_243 : memref<2048x1024xf32, #tpu.memory_space<vmem>>) target(%dma_start3A_240 : memref<2048x1024xf32, #tpu.memory_space<any>>) target_semaphore(%dma_start3A_236 : memref<!tpu.dma_semaphore, #tpu.memory_space<semaphore_mem>>)
    %dma_start3A_244 = arith.constant 1 : i32
    %dma_start3A_245 = arith.constant 4 : i32
    %dma_start3A_246 = arith.constant 1 : i32
    %dma_start3A_247 = tpu.memref_slice %arg4[%dma_start3A_245, %dma_start3A_246] : memref<5x3x!tpu.dma_semaphore, #tpu.memory_space<semaphore_mem>> -> memref<1x1x!tpu.dma_semaphore, #tpu.memory_space<semaphore_mem>>
    %dma_start3A_248 = tpu.memref_squeeze %dma_start3A_247 : memref<1x1x!tpu.dma_semaphore, #tpu.memory_space<semaphore_mem>> -> memref<!tpu.dma_semaphore, #tpu.memory_space<semaphore_mem>>
    %dma_start3A_249 = arith.constant 2048 : i32
    %dma_start3A_250 = arith.constant 0 : i32
    %dma_start3A_251 = tpu.memref_slice %arg1[%dma_start3A_244, %dma_start3A_249, %dma_start3A_250] : memref<3x4096x1024xf32, #tpu.memory_space<any>> -> memref<1x2048x1024xf32, #tpu.memory_space<any>>
    %dma_start3A_252 = tpu.memref_squeeze %dma_start3A_251 : memref<1x2048x1024xf32, #tpu.memory_space<any>> -> memref<2048x1024xf32, #tpu.memory_space<any>>
    %dma_start3A_253 = arith.constant 2048 : i32
    %dma_start3A_254 = arith.constant 0 : i32
    %dma_start3A_255 = tpu.memref_slice %arg2[%dma_start3A_253, %dma_start3A_254] : memref<4096x1024xf32, #tpu.memory_space<vmem>> -> memref<2048x1024xf32, #tpu.memory_space<vmem>>
    tpu.enqueue_dma source(%dma_start3A_255 : memref<2048x1024xf32, #tpu.memory_space<vmem>>) target(%dma_start3A_252 : memref<2048x1024xf32, #tpu.memory_space<any>>) target_semaphore(%dma_start3A_248 : memref<!tpu.dma_semaphore, #tpu.memory_space<semaphore_mem>>)
    %dma_start3A_256 = arith.constant 2 : i32
    %dma_start3A_257 = arith.constant 4 : i32
    %dma_start3A_258 = arith.constant 2 : i32
    %dma_start3A_259 = tpu.memref_slice %arg4[%dma_start3A_257, %dma_start3A_258] : memref<5x3x!tpu.dma_semaphore, #tpu.memory_space<semaphore_mem>> -> memref<1x1x!tpu.dma_semaphore, #tpu.memory_space<semaphore_mem>>
    %dma_start3A_260 = tpu.memref_squeeze %dma_start3A_259 : memref<1x1x!tpu.dma_semaphore, #tpu.memory_space<semaphore_mem>> -> memref<!tpu.dma_semaphore, #tpu.memory_space<semaphore_mem>>
    %dma_start3A_261 = arith.constant 2048 : i32
    %dma_start3A_262 = arith.constant 0 : i32
    %dma_start3A_263 = tpu.memref_slice %arg1[%dma_start3A_256, %dma_start3A_261, %dma_start3A_262] : memref<3x4096x1024xf32, #tpu.memory_space<any>> -> memref<1x2048x1024xf32, #tpu.memory_space<any>>
    %dma_start3A_264 = tpu.memref_squeeze %dma_start3A_263 : memref<1x2048x1024xf32, #tpu.memory_space<any>> -> memref<2048x1024xf32, #tpu.memory_space<any>>
    %dma_start3A_265 = arith.constant 2048 : i32
    %dma_start3A_266 = arith.constant 0 : i32
    %dma_start3A_267 = tpu.memref_slice %arg2[%dma_start3A_265, %dma_start3A_266] : memref<4096x1024xf32, #tpu.memory_space<vmem>> -> memref<2048x1024xf32, #tpu.memory_space<vmem>>
    tpu.enqueue_dma source(%dma_start3A_267 : memref<2048x1024xf32, #tpu.memory_space<vmem>>) target(%dma_start3A_264 : memref<2048x1024xf32, #tpu.memory_space<any>>) target_semaphore(%dma_start3A_260 : memref<!tpu.dma_semaphore, #tpu.memory_space<semaphore_mem>>)
    %dma_wait3A_268 = arith.constant 0 : i32
    %dma_wait3A_269 = arith.constant 0 : i32
    %dma_wait3A_270 = arith.constant 0 : i32
    %dma_wait3A_271 = tpu.memref_slice %arg4[%dma_wait3A_269, %dma_wait3A_270] : memref<5x3x!tpu.dma_semaphore, #tpu.memory_space<semaphore_mem>> -> memref<1x1x!tpu.dma_semaphore, #tpu.memory_space<semaphore_mem>>
    %dma_wait3A_272 = tpu.memref_squeeze %dma_wait3A_271 : memref<1x1x!tpu.dma_semaphore, #tpu.memory_space<semaphore_mem>> -> memref<!tpu.dma_semaphore, #tpu.memory_space<semaphore_mem>>
    %dma_wait3A_273 = arith.constant 0 : i32
    %dma_wait3A_274 = arith.constant 0 : i32
    %dma_wait3A_275 = tpu.memref_slice %arg1[%dma_wait3A_268, %dma_wait3A_273, %dma_wait3A_274] : memref<3x4096x1024xf32, #tpu.memory_space<any>> -> memref<1x256x1024xf32, #tpu.memory_space<any>>
    %dma_wait3A_276 = tpu.memref_squeeze %dma_wait3A_275 : memref<1x256x1024xf32, #tpu.memory_space<any>> -> memref<256x1024xf32, #tpu.memory_space<any>>
    %dma_wait3A_277 = arith.constant 0 : i32
    %dma_wait3A_278 = arith.constant 0 : i32
    %dma_wait3A_279 = tpu.memref_slice %arg2[%dma_wait3A_277, %dma_wait3A_278] : memref<4096x1024xf32, #tpu.memory_space<vmem>> -> memref<256x1024xf32, #tpu.memory_space<vmem>>
    tpu.wait_dma2 semaphore(%dma_wait3A_272 : memref<!tpu.dma_semaphore, #tpu.memory_space<semaphore_mem>>) src(%dma_wait3A_279 : memref<256x1024xf32, #tpu.memory_space<vmem>>) dst(%dma_wait3A_276 : memref<256x1024xf32, #tpu.memory_space<any>>)
    %dma_wait3A_280 = arith.constant 1 : i32
    %dma_wait3A_281 = arith.constant 0 : i32
    %dma_wait3A_282 = arith.constant 1 : i32
    %dma_wait3A_283 = tpu.memref_slice %arg4[%dma_wait3A_281, %dma_wait3A_282] : memref<5x3x!tpu.dma_semaphore, #tpu.memory_space<semaphore_mem>> -> memref<1x1x!tpu.dma_semaphore, #tpu.memory_space<semaphore_mem>>
    %dma_wait3A_284 = tpu.memref_squeeze %dma_wait3A_283 : memref<1x1x!tpu.dma_semaphore, #tpu.memory_space<semaphore_mem>> -> memref<!tpu.dma_semaphore, #tpu.memory_space<semaphore_mem>>
    %dma_wait3A_285 = arith.constant 0 : i32
    %dma_wait3A_286 = arith.constant 0 : i32
    %dma_wait3A_287 = tpu.memref_slice %arg1[%dma_wait3A_280, %dma_wait3A_285, %dma_wait3A_286] : memref<3x4096x1024xf32, #tpu.memory_space<any>> -> memref<1x256x1024xf32, #tpu.memory_space<any>>
    %dma_wait3A_288 = tpu.memref_squeeze %dma_wait3A_287 : memref<1x256x1024xf32, #tpu.memory_space<any>> -> memref<256x1024xf32, #tpu.memory_space<any>>
    %dma_wait3A_289 = arith.constant 0 : i32
    %dma_wait3A_290 = arith.constant 0 : i32
    %dma_wait3A_291 = tpu.memref_slice %arg2[%dma_wait3A_289, %dma_wait3A_290] : memref<4096x1024xf32, #tpu.memory_space<vmem>> -> memref<256x1024xf32, #tpu.memory_space<vmem>>
    tpu.wait_dma2 semaphore(%dma_wait3A_284 : memref<!tpu.dma_semaphore, #tpu.memory_space<semaphore_mem>>) src(%dma_wait3A_291 : memref<256x1024xf32, #tpu.memory_space<vmem>>) dst(%dma_wait3A_288 : memref<256x1024xf32, #tpu.memory_space<any>>)
    %dma_wait3A_292 = arith.constant 2 : i32
    %dma_wait3A_293 = arith.constant 0 : i32
    %dma_wait3A_294 = arith.constant 2 : i32
    %dma_wait3A_295 = tpu.memref_slice %arg4[%dma_wait3A_293, %dma_wait3A_294] : memref<5x3x!tpu.dma_semaphore, #tpu.memory_space<semaphore_mem>> -> memref<1x1x!tpu.dma_semaphore, #tpu.memory_space<semaphore_mem>>
    %dma_wait3A_296 = tpu.memref_squeeze %dma_wait3A_295 : memref<1x1x!tpu.dma_semaphore, #tpu.memory_space<semaphore_mem>> -> memref<!tpu.dma_semaphore, #tpu.memory_space<semaphore_mem>>
    %dma_wait3A_297 = arith.constant 0 : i32
    %dma_wait3A_298 = arith.constant 0 : i32
    %dma_wait3A_299 = tpu.memref_slice %arg1[%dma_wait3A_292, %dma_wait3A_297, %dma_wait3A_298] : memref<3x4096x1024xf32, #tpu.memory_space<any>> -> memref<1x256x1024xf32, #tpu.memory_space<any>>
    %dma_wait3A_300 = tpu.memref_squeeze %dma_wait3A_299 : memref<1x256x1024xf32, #tpu.memory_space<any>> -> memref<256x1024xf32, #tpu.memory_space<any>>
    %dma_wait3A_301 = arith.constant 0 : i32
    %dma_wait3A_302 = arith.constant 0 : i32
    %dma_wait3A_303 = tpu.memref_slice %arg2[%dma_wait3A_301, %dma_wait3A_302] : memref<4096x1024xf32, #tpu.memory_space<vmem>> -> memref<256x1024xf32, #tpu.memory_space<vmem>>
    tpu.wait_dma2 semaphore(%dma_wait3A_296 : memref<!tpu.dma_semaphore, #tpu.memory_space<semaphore_mem>>) src(%dma_wait3A_303 : memref<256x1024xf32, #tpu.memory_space<vmem>>) dst(%dma_wait3A_300 : memref<256x1024xf32, #tpu.memory_space<any>>)
    %dma_wait3A_304 = arith.constant 0 : i32
    %dma_wait3A_305 = arith.constant 1 : i32
    %dma_wait3A_306 = arith.constant 0 : i32
    %dma_wait3A_307 = tpu.memref_slice %arg4[%dma_wait3A_305, %dma_wait3A_306] : memref<5x3x!tpu.dma_semaphore, #tpu.memory_space<semaphore_mem>> -> memref<1x1x!tpu.dma_semaphore, #tpu.memory_space<semaphore_mem>>
    %dma_wait3A_308 = tpu.memref_squeeze %dma_wait3A_307 : memref<1x1x!tpu.dma_semaphore, #tpu.memory_space<semaphore_mem>> -> memref<!tpu.dma_semaphore, #tpu.memory_space<semaphore_mem>>
    %dma_wait3A_309 = arith.constant 256 : i32
    %dma_wait3A_310 = arith.constant 0 : i32
    %dma_wait3A_311 = tpu.memref_slice %arg1[%dma_wait3A_304, %dma_wait3A_309, %dma_wait3A_310] : memref<3x4096x1024xf32, #tpu.memory_space<any>> -> memref<1x256x1024xf32, #tpu.memory_space<any>>
    %dma_wait3A_312 = tpu.memref_squeeze %dma_wait3A_311 : memref<1x256x1024xf32, #tpu.memory_space<any>> -> memref<256x1024xf32, #tpu.memory_space<any>>
    %dma_wait3A_313 = arith.constant 256 : i32
    %dma_wait3A_314 = arith.constant 0 : i32
    %dma_wait3A_315 = tpu.memref_slice %arg2[%dma_wait3A_313, %dma_wait3A_314] : memref<4096x1024xf32, #tpu.memory_space<vmem>> -> memref<256x1024xf32, #tpu.memory_space<vmem>>
    tpu.wait_dma2 semaphore(%dma_wait3A_308 : memref<!tpu.dma_semaphore, #tpu.memory_space<semaphore_mem>>) src(%dma_wait3A_315 : memref<256x1024xf32, #tpu.memory_space<vmem>>) dst(%dma_wait3A_312 : memref<256x1024xf32, #tpu.memory_space<any>>)
    %dma_wait3A_316 = arith.constant 1 : i32
    %dma_wait3A_317 = arith.constant 1 : i32
    %dma_wait3A_318 = arith.constant 1 : i32
    %dma_wait3A_319 = tpu.memref_slice %arg4[%dma_wait3A_317, %dma_wait3A_318] : memref<5x3x!tpu.dma_semaphore, #tpu.memory_space<semaphore_mem>> -> memref<1x1x!tpu.dma_semaphore, #tpu.memory_space<semaphore_mem>>
    %dma_wait3A_320 = tpu.memref_squeeze %dma_wait3A_319 : memref<1x1x!tpu.dma_semaphore, #tpu.memory_space<semaphore_mem>> -> memref<!tpu.dma_semaphore, #tpu.memory_space<semaphore_mem>>
    %dma_wait3A_321 = arith.constant 256 : i32
    %dma_wait3A_322 = arith.constant 0 : i32
    %dma_wait3A_323 = tpu.memref_slice %arg1[%dma_wait3A_316, %dma_wait3A_321, %dma_wait3A_322] : memref<3x4096x1024xf32, #tpu.memory_space<any>> -> memref<1x256x1024xf32, #tpu.memory_space<any>>
    %dma_wait3A_324 = tpu.memref_squeeze %dma_wait3A_323 : memref<1x256x1024xf32, #tpu.memory_space<any>> -> memref<256x1024xf32, #tpu.memory_space<any>>
    %dma_wait3A_325 = arith.constant 256 : i32
    %dma_wait3A_326 = arith.constant 0 : i32
    %dma_wait3A_327 = tpu.memref_slice %arg2[%dma_wait3A_325, %dma_wait3A_326] : memref<4096x1024xf32, #tpu.memory_space<vmem>> -> memref<256x1024xf32, #tpu.memory_space<vmem>>
    tpu.wait_dma2 semaphore(%dma_wait3A_320 : memref<!tpu.dma_semaphore, #tpu.memory_space<semaphore_mem>>) src(%dma_wait3A_327 : memref<256x1024xf32, #tpu.memory_space<vmem>>) dst(%dma_wait3A_324 : memref<256x1024xf32, #tpu.memory_space<any>>)
    %dma_wait3A_328 = arith.constant 2 : i32
    %dma_wait3A_329 = arith.constant 1 : i32
    %dma_wait3A_330 = arith.constant 2 : i32
    %dma_wait3A_331 = tpu.memref_slice %arg4[%dma_wait3A_329, %dma_wait3A_330] : memref<5x3x!tpu.dma_semaphore, #tpu.memory_space<semaphore_mem>> -> memref<1x1x!tpu.dma_semaphore, #tpu.memory_space<semaphore_mem>>
    %dma_wait3A_332 = tpu.memref_squeeze %dma_wait3A_331 : memref<1x1x!tpu.dma_semaphore, #tpu.memory_space<semaphore_mem>> -> memref<!tpu.dma_semaphore, #tpu.memory_space<semaphore_mem>>
    %dma_wait3A_333 = arith.constant 256 : i32
    %dma_wait3A_334 = arith.constant 0 : i32
    %dma_wait3A_335 = tpu.memref_slice %arg1[%dma_wait3A_328, %dma_wait3A_333, %dma_wait3A_334] : memref<3x4096x1024xf32, #tpu.memory_space<any>> -> memref<1x256x1024xf32, #tpu.memory_space<any>>
    %dma_wait3A_336 = tpu.memref_squeeze %dma_wait3A_335 : memref<1x256x1024xf32, #tpu.memory_space<any>> -> memref<256x1024xf32, #tpu.memory_space<any>>
    %dma_wait3A_337 = arith.constant 256 : i32
    %dma_wait3A_338 = arith.constant 0 : i32
    %dma_wait3A_339 = tpu.memref_slice %arg2[%dma_wait3A_337, %dma_wait3A_338] : memref<4096x1024xf32, #tpu.memory_space<vmem>> -> memref<256x1024xf32, #tpu.memory_space<vmem>>
    tpu.wait_dma2 semaphore(%dma_wait3A_332 : memref<!tpu.dma_semaphore, #tpu.memory_space<semaphore_mem>>) src(%dma_wait3A_339 : memref<256x1024xf32, #tpu.memory_space<vmem>>) dst(%dma_wait3A_336 : memref<256x1024xf32, #tpu.memory_space<any>>)
    %dma_wait3A_340 = arith.constant 0 : i32
    %dma_wait3A_341 = arith.constant 2 : i32
    %dma_wait3A_342 = arith.constant 0 : i32
    %dma_wait3A_343 = tpu.memref_slice %arg4[%dma_wait3A_341, %dma_wait3A_342] : memref<5x3x!tpu.dma_semaphore, #tpu.memory_space<semaphore_mem>> -> memref<1x1x!tpu.dma_semaphore, #tpu.memory_space<semaphore_mem>>
    %dma_wait3A_344 = tpu.memref_squeeze %dma_wait3A_343 : memref<1x1x!tpu.dma_semaphore, #tpu.memory_space<semaphore_mem>> -> memref<!tpu.dma_semaphore, #tpu.memory_space<semaphore_mem>>
    %dma_wait3A_345 = arith.constant 512 : i32
    %dma_wait3A_346 = arith.constant 0 : i32
    %dma_wait3A_347 = tpu.memref_slice %arg1[%dma_wait3A_340, %dma_wait3A_345, %dma_wait3A_346] : memref<3x4096x1024xf32, #tpu.memory_space<any>> -> memref<1x512x1024xf32, #tpu.memory_space<any>>
    %dma_wait3A_348 = tpu.memref_squeeze %dma_wait3A_347 : memref<1x512x1024xf32, #tpu.memory_space<any>> -> memref<512x1024xf32, #tpu.memory_space<any>>
    %dma_wait3A_349 = arith.constant 512 : i32
    %dma_wait3A_350 = arith.constant 0 : i32
    %dma_wait3A_351 = tpu.memref_slice %arg2[%dma_wait3A_349, %dma_wait3A_350] : memref<4096x1024xf32, #tpu.memory_space<vmem>> -> memref<512x1024xf32, #tpu.memory_space<vmem>>
    tpu.wait_dma2 semaphore(%dma_wait3A_344 : memref<!tpu.dma_semaphore, #tpu.memory_space<semaphore_mem>>) src(%dma_wait3A_351 : memref<512x1024xf32, #tpu.memory_space<vmem>>) dst(%dma_wait3A_348 : memref<512x1024xf32, #tpu.memory_space<any>>)
    %dma_wait3A_352 = arith.constant 1 : i32
    %dma_wait3A_353 = arith.constant 2 : i32
    %dma_wait3A_354 = arith.constant 1 : i32
    %dma_wait3A_355 = tpu.memref_slice %arg4[%dma_wait3A_353, %dma_wait3A_354] : memref<5x3x!tpu.dma_semaphore, #tpu.memory_space<semaphore_mem>> -> memref<1x1x!tpu.dma_semaphore, #tpu.memory_space<semaphore_mem>>
    %dma_wait3A_356 = tpu.memref_squeeze %dma_wait3A_355 : memref<1x1x!tpu.dma_semaphore, #tpu.memory_space<semaphore_mem>> -> memref<!tpu.dma_semaphore, #tpu.memory_space<semaphore_mem>>
    %dma_wait3A_357 = arith.constant 512 : i32
    %dma_wait3A_358 = arith.constant 0 : i32
    %dma_wait3A_359 = tpu.memref_slice %arg1[%dma_wait3A_352, %dma_wait3A_357, %dma_wait3A_358] : memref<3x4096x1024xf32, #tpu.memory_space<any>> -> memref<1x512x1024xf32, #tpu.memory_space<any>>
    %dma_wait3A_360 = tpu.memref_squeeze %dma_wait3A_359 : memref<1x512x1024xf32, #tpu.memory_space<any>> -> memref<512x1024xf32, #tpu.memory_space<any>>
    %dma_wait3A_361 = arith.constant 512 : i32
    %dma_wait3A_362 = arith.constant 0 : i32
    %dma_wait3A_363 = tpu.memref_slice %arg2[%dma_wait3A_361, %dma_wait3A_362] : memref<4096x1024xf32, #tpu.memory_space<vmem>> -> memref<512x1024xf32, #tpu.memory_space<vmem>>
    tpu.wait_dma2 semaphore(%dma_wait3A_356 : memref<!tpu.dma_semaphore, #tpu.memory_space<semaphore_mem>>) src(%dma_wait3A_363 : memref<512x1024xf32, #tpu.memory_space<vmem>>) dst(%dma_wait3A_360 : memref<512x1024xf32, #tpu.memory_space<any>>)
    %dma_wait3A_364 = arith.constant 2 : i32
    %dma_wait3A_365 = arith.constant 2 : i32
    %dma_wait3A_366 = arith.constant 2 : i32
    %dma_wait3A_367 = tpu.memref_slice %arg4[%dma_wait3A_365, %dma_wait3A_366] : memref<5x3x!tpu.dma_semaphore, #tpu.memory_space<semaphore_mem>> -> memref<1x1x!tpu.dma_semaphore, #tpu.memory_space<semaphore_mem>>
    %dma_wait3A_368 = tpu.memref_squeeze %dma_wait3A_367 : memref<1x1x!tpu.dma_semaphore, #tpu.memory_space<semaphore_mem>> -> memref<!tpu.dma_semaphore, #tpu.memory_space<semaphore_mem>>
    %dma_wait3A_369 = arith.constant 512 : i32
    %dma_wait3A_370 = arith.constant 0 : i32
    %dma_wait3A_371 = tpu.memref_slice %arg1[%dma_wait3A_364, %dma_wait3A_369, %dma_wait3A_370] : memref<3x4096x1024xf32, #tpu.memory_space<any>> -> memref<1x512x1024xf32, #tpu.memory_space<any>>
    %dma_wait3A_372 = tpu.memref_squeeze %dma_wait3A_371 : memref<1x512x1024xf32, #tpu.memory_space<any>> -> memref<512x1024xf32, #tpu.memory_space<any>>
    %dma_wait3A_373 = arith.constant 512 : i32
    %dma_wait3A_374 = arith.constant 0 : i32
    %dma_wait3A_375 = tpu.memref_slice %arg2[%dma_wait3A_373, %dma_wait3A_374] : memref<4096x1024xf32, #tpu.memory_space<vmem>> -> memref<512x1024xf32, #tpu.memory_space<vmem>>
    tpu.wait_dma2 semaphore(%dma_wait3A_368 : memref<!tpu.dma_semaphore, #tpu.memory_space<semaphore_mem>>) src(%dma_wait3A_375 : memref<512x1024xf32, #tpu.memory_space<vmem>>) dst(%dma_wait3A_372 : memref<512x1024xf32, #tpu.memory_space<any>>)
    %dma_wait3A_376 = arith.constant 0 : i32
    %dma_wait3A_377 = arith.constant 3 : i32
    %dma_wait3A_378 = arith.constant 0 : i32
    %dma_wait3A_379 = tpu.memref_slice %arg4[%dma_wait3A_377, %dma_wait3A_378] : memref<5x3x!tpu.dma_semaphore, #tpu.memory_space<semaphore_mem>> -> memref<1x1x!tpu.dma_semaphore, #tpu.memory_space<semaphore_mem>>
    %dma_wait3A_380 = tpu.memref_squeeze %dma_wait3A_379 : memref<1x1x!tpu.dma_semaphore, #tpu.memory_space<semaphore_mem>> -> memref<!tpu.dma_semaphore, #tpu.memory_space<semaphore_mem>>
    %dma_wait3A_381 = arith.constant 1024 : i32
    %dma_wait3A_382 = arith.constant 0 : i32
    %dma_wait3A_383 = tpu.memref_slice %arg1[%dma_wait3A_376, %dma_wait3A_381, %dma_wait3A_382] : memref<3x4096x1024xf32, #tpu.memory_space<any>> -> memref<1x1024x1024xf32, #tpu.memory_space<any>>
    %dma_wait3A_384 = tpu.memref_squeeze %dma_wait3A_383 : memref<1x1024x1024xf32, #tpu.memory_space<any>> -> memref<1024x1024xf32, #tpu.memory_space<any>>
    %dma_wait3A_385 = arith.constant 1024 : i32
    %dma_wait3A_386 = arith.constant 0 : i32
    %dma_wait3A_387 = tpu.memref_slice %arg2[%dma_wait3A_385, %dma_wait3A_386] : memref<4096x1024xf32, #tpu.memory_space<vmem>> -> memref<1024x1024xf32, #tpu.memory_space<vmem>>
    tpu.wait_dma2 semaphore(%dma_wait3A_380 : memref<!tpu.dma_semaphore, #tpu.memory_space<semaphore_mem>>) src(%dma_wait3A_387 : memref<1024x1024xf32, #tpu.memory_space<vmem>>) dst(%dma_wait3A_384 : memref<1024x1024xf32, #tpu.memory_space<any>>)
    %dma_wait3A_388 = arith.constant 1 : i32
    %dma_wait3A_389 = arith.constant 3 : i32
    %dma_wait3A_390 = arith.constant 1 : i32
    %dma_wait3A_391 = tpu.memref_slice %arg4[%dma_wait3A_389, %dma_wait3A_390] : memref<5x3x!tpu.dma_semaphore, #tpu.memory_space<semaphore_mem>> -> memref<1x1x!tpu.dma_semaphore, #tpu.memory_space<semaphore_mem>>
    %dma_wait3A_392 = tpu.memref_squeeze %dma_wait3A_391 : memref<1x1x!tpu.dma_semaphore, #tpu.memory_space<semaphore_mem>> -> memref<!tpu.dma_semaphore, #tpu.memory_space<semaphore_mem>>
    %dma_wait3A_393 = arith.constant 1024 : i32
    %dma_wait3A_394 = arith.constant 0 : i32
    %dma_wait3A_395 = tpu.memref_slice %arg1[%dma_wait3A_388, %dma_wait3A_393, %dma_wait3A_394] : memref<3x4096x1024xf32, #tpu.memory_space<any>> -> memref<1x1024x1024xf32, #tpu.memory_space<any>>
    %dma_wait3A_396 = tpu.memref_squeeze %dma_wait3A_395 : memref<1x1024x1024xf32, #tpu.memory_space<any>> -> memref<1024x1024xf32, #tpu.memory_space<any>>
    %dma_wait3A_397 = arith.constant 1024 : i32
    %dma_wait3A_398 = arith.constant 0 : i32
    %dma_wait3A_399 = tpu.memref_slice %arg2[%dma_wait3A_397, %dma_wait3A_398] : memref<4096x1024xf32, #tpu.memory_space<vmem>> -> memref<1024x1024xf32, #tpu.memory_space<vmem>>
    tpu.wait_dma2 semaphore(%dma_wait3A_392 : memref<!tpu.dma_semaphore, #tpu.memory_space<semaphore_mem>>) src(%dma_wait3A_399 : memref<1024x1024xf32, #tpu.memory_space<vmem>>) dst(%dma_wait3A_396 : memref<1024x1024xf32, #tpu.memory_space<any>>)
    %dma_wait3A_400 = arith.constant 2 : i32
    %dma_wait3A_401 = arith.constant 3 : i32
    %dma_wait3A_402 = arith.constant 2 : i32
    %dma_wait3A_403 = tpu.memref_slice %arg4[%dma_wait3A_401, %dma_wait3A_402] : memref<5x3x!tpu.dma_semaphore, #tpu.memory_space<semaphore_mem>> -> memref<1x1x!tpu.dma_semaphore, #tpu.memory_space<semaphore_mem>>
    %dma_wait3A_404 = tpu.memref_squeeze %dma_wait3A_403 : memref<1x1x!tpu.dma_semaphore, #tpu.memory_space<semaphore_mem>> -> memref<!tpu.dma_semaphore, #tpu.memory_space<semaphore_mem>>
    %dma_wait3A_405 = arith.constant 1024 : i32
    %dma_wait3A_406 = arith.constant 0 : i32
    %dma_wait3A_407 = tpu.memref_slice %arg1[%dma_wait3A_400, %dma_wait3A_405, %dma_wait3A_406] : memref<3x4096x1024xf32, #tpu.memory_space<any>> -> memref<1x1024x1024xf32, #tpu.memory_space<any>>
    %dma_wait3A_408 = tpu.memref_squeeze %dma_wait3A_407 : memref<1x1024x1024xf32, #tpu.memory_space<any>> -> memref<1024x1024xf32, #tpu.memory_space<any>>
    %dma_wait3A_409 = arith.constant 1024 : i32
    %dma_wait3A_410 = arith.constant 0 : i32
    %dma_wait3A_411 = tpu.memref_slice %arg2[%dma_wait3A_409, %dma_wait3A_410] : memref<4096x1024xf32, #tpu.memory_space<vmem>> -> memref<1024x1024xf32, #tpu.memory_space<vmem>>
    tpu.wait_dma2 semaphore(%dma_wait3A_404 : memref<!tpu.dma_semaphore, #tpu.memory_space<semaphore_mem>>) src(%dma_wait3A_411 : memref<1024x1024xf32, #tpu.memory_space<vmem>>) dst(%dma_wait3A_408 : memref<1024x1024xf32, #tpu.memory_space<any>>)
    %dma_wait3A_412 = arith.constant 0 : i32
    %dma_wait3A_413 = arith.constant 4 : i32
    %dma_wait3A_414 = arith.constant 0 : i32
    %dma_wait3A_415 = tpu.memref_slice %arg4[%dma_wait3A_413, %dma_wait3A_414] : memref<5x3x!tpu.dma_semaphore, #tpu.memory_space<semaphore_mem>> -> memref<1x1x!tpu.dma_semaphore, #tpu.memory_space<semaphore_mem>>
    %dma_wait3A_416 = tpu.memref_squeeze %dma_wait3A_415 : memref<1x1x!tpu.dma_semaphore, #tpu.memory_space<semaphore_mem>> -> memref<!tpu.dma_semaphore, #tpu.memory_space<semaphore_mem>>
    %dma_wait3A_417 = arith.constant 2048 : i32
    %dma_wait3A_418 = arith.constant 0 : i32
    %dma_wait3A_419 = tpu.memref_slice %arg1[%dma_wait3A_412, %dma_wait3A_417, %dma_wait3A_418] : memref<3x4096x1024xf32, #tpu.memory_space<any>> -> memref<1x2048x1024xf32, #tpu.memory_space<any>>
    %dma_wait3A_420 = tpu.memref_squeeze %dma_wait3A_419 : memref<1x2048x1024xf32, #tpu.memory_space<any>> -> memref<2048x1024xf32, #tpu.memory_space<any>>
    %dma_wait3A_421 = arith.constant 2048 : i32
    %dma_wait3A_422 = arith.constant 0 : i32
    %dma_wait3A_423 = tpu.memref_slice %arg2[%dma_wait3A_421, %dma_wait3A_422] : memref<4096x1024xf32, #tpu.memory_space<vmem>> -> memref<2048x1024xf32, #tpu.memory_space<vmem>>
    tpu.wait_dma2 semaphore(%dma_wait3A_416 : memref<!tpu.dma_semaphore, #tpu.memory_space<semaphore_mem>>) src(%dma_wait3A_423 : memref<2048x1024xf32, #tpu.memory_space<vmem>>) dst(%dma_wait3A_420 : memref<2048x1024xf32, #tpu.memory_space<any>>)
    %dma_wait3A_424 = arith.constant 1 : i32
    %dma_wait3A_425 = arith.constant 4 : i32
    %dma_wait3A_426 = arith.constant 1 : i32
    %dma_wait3A_427 = tpu.memref_slice %arg4[%dma_wait3A_425, %dma_wait3A_426] : memref<5x3x!tpu.dma_semaphore, #tpu.memory_space<semaphore_mem>> -> memref<1x1x!tpu.dma_semaphore, #tpu.memory_space<semaphore_mem>>
    %dma_wait3A_428 = tpu.memref_squeeze %dma_wait3A_427 : memref<1x1x!tpu.dma_semaphore, #tpu.memory_space<semaphore_mem>> -> memref<!tpu.dma_semaphore, #tpu.memory_space<semaphore_mem>>
    %dma_wait3A_429 = arith.constant 2048 : i32
    %dma_wait3A_430 = arith.constant 0 : i32
    %dma_wait3A_431 = tpu.memref_slice %arg1[%dma_wait3A_424, %dma_wait3A_429, %dma_wait3A_430] : memref<3x4096x1024xf32, #tpu.memory_space<any>> -> memref<1x2048x1024xf32, #tpu.memory_space<any>>
    %dma_wait3A_432 = tpu.memref_squeeze %dma_wait3A_431 : memref<1x2048x1024xf32, #tpu.memory_space<any>> -> memref<2048x1024xf32, #tpu.memory_space<any>>
    %dma_wait3A_433 = arith.constant 2048 : i32
    %dma_wait3A_434 = arith.constant 0 : i32
    %dma_wait3A_435 = tpu.memref_slice %arg2[%dma_wait3A_433, %dma_wait3A_434] : memref<4096x1024xf32, #tpu.memory_space<vmem>> -> memref<2048x1024xf32, #tpu.memory_space<vmem>>
    tpu.wait_dma2 semaphore(%dma_wait3A_428 : memref<!tpu.dma_semaphore, #tpu.memory_space<semaphore_mem>>) src(%dma_wait3A_435 : memref<2048x1024xf32, #tpu.memory_space<vmem>>) dst(%dma_wait3A_432 : memref<2048x1024xf32, #tpu.memory_space<any>>)
    %dma_wait3A_436 = arith.constant 2 : i32
    %dma_wait3A_437 = arith.constant 4 : i32
    %dma_wait3A_438 = arith.constant 2 : i32
    %dma_wait3A_439 = tpu.memref_slice %arg4[%dma_wait3A_437, %dma_wait3A_438] : memref<5x3x!tpu.dma_semaphore, #tpu.memory_space<semaphore_mem>> -> memref<1x1x!tpu.dma_semaphore, #tpu.memory_space<semaphore_mem>>
    %dma_wait3A_440 = tpu.memref_squeeze %dma_wait3A_439 : memref<1x1x!tpu.dma_semaphore, #tpu.memory_space<semaphore_mem>> -> memref<!tpu.dma_semaphore, #tpu.memory_space<semaphore_mem>>
    %dma_wait3A_441 = arith.constant 2048 : i32
    %dma_wait3A_442 = arith.constant 0 : i32
    %dma_wait3A_443 = tpu.memref_slice %arg1[%dma_wait3A_436, %dma_wait3A_441, %dma_wait3A_442] : memref<3x4096x1024xf32, #tpu.memory_space<any>> -> memref<1x2048x1024xf32, #tpu.memory_space<any>>
    %dma_wait3A_444 = tpu.memref_squeeze %dma_wait3A_443 : memref<1x2048x1024xf32, #tpu.memory_space<any>> -> memref<2048x1024xf32, #tpu.memory_space<any>>
    %dma_wait3A_445 = arith.constant 2048 : i32
    %dma_wait3A_446 = arith.constant 0 : i32
    %dma_wait3A_447 = tpu.memref_slice %arg2[%dma_wait3A_445, %dma_wait3A_446] : memref<4096x1024xf32, #tpu.memory_space<vmem>> -> memref<2048x1024xf32, #tpu.memory_space<vmem>>
    tpu.wait_dma2 semaphore(%dma_wait3A_440 : memref<!tpu.dma_semaphore, #tpu.memory_space<semaphore_mem>>) src(%dma_wait3A_447 : memref<2048x1024xf32, #tpu.memory_space<vmem>>) dst(%dma_wait3A_444 : memref<2048x1024xf32, #tpu.memory_space<any>>)
    return
  }
}

</mosaic_0001>

<sc_bundles>
// kernel: kernel.4.cloned.1.call-start
scs
__scs_entry_jumppad:
0x0: {  	(pc) =	sbr.rel $0x88, $3  }
0x1: {  	(tag) =	ssettag $0x0;
	lr =	simm.s32 $0x1  }
0x2: {  	[smem:$0x3FA0] =	sst lr;
	_ =	strace $0xD0000000  }
0x3: {  	_ = 	snop  }
0x4: {  	_ = 	snop  }
0x5: {  	_ = 	snop  }
0x6: {  	_ = 	snop  }
0x7: {  	_ = 	snop  }
__scs_overlays_trampoline_lowered:
0x8: {  	[smem:$0x3FAF] =	sst s0  }
0x9: {  	[smem:$0x3FB0] =	sst s1  }
0xa: {  	[smem:$0x3FB1] =	sst s2  }
0xb: {  	[smem:$0x3FB2] =	sst s3  }
0xc: {  	[smem:$0x3FB3] =	sst s4  }
0xd: {  	[smem:$0x3FB4] =	sst s5  }
0xe: {  	[smem:$0x3FB5] =	sst s6  }
0xf: {  	[smem:$0x3FB6] =	sst s7  }
0x10: {  	[smem:$0x3FB7] =	sst s8  }
0x11: {  	[smem:$0x3FB8] =	sst s9;
	s0 =	simm.s32 @!p0 $0x0  }
0x12: {  	s1 =	sld [smem:$0x3F9E];
	s0 =	simm.s32 @p0 $0x1  }
0x13: {  	[smem:$0x3FB9] =	sst s0;
	s0 =	simm.s32 @!p1 $0x0  }
0x14: {  	s2 =	sld [smem:$0x3F9D];
	s0 =	simm.s32 @p1 $0x1  }
0x15: {  	[smem:$0x3FBA] =	sst s0;
	s0 =	simm.s32 @!p2 $0x0  }
0x16: {  	s3 =	sld [smem:$0x3FDB];
	s0 =	simm.s32 @p2 $0x1  }
0x17: {  	s4 =	simm.s32 $0x1BF5;
	[smem:$0x3FBC] =	sst s0  }
0x18: {  	s0 =	sld [smem:$0x3F9F];
	_ =	swait.ge [sflag:s4], $0x0  }
0x19: {  	s7 =	sld [smem:$0x3FA0]  }
0x1a: {  	s8 =	sadd.s32 $0xFFFFE003, lr  }
0x1b: {  	s9 =	sadd.s32 $0xFFFFFEF7, lr;
	s5 =	simm.s32 $0xFFFFFFFF;
	p2 =	slt.u32 s8, $0xFFFFF086  }
0x1c: {  	p1 =	slt.u32 s9, $0xF7A;
	s5 =	simm.s32 @!p2 $0x0  }
0x1d: {  	s5 =	simm.s32 @p1 $0x1;
	p0 =	seq.s32 s7, s2  }
0x1e: {  	s7 =	smul.u32 @!p0 $0xF7A, s2;
	p2 =	seq.s32 @!p0 s5, $0x0  }
0x1f: {  	s9 =	smul.u32 $0xF7A, s1;
	s8 =	simm.s32 @!p0 $0x1BF5;
	p2 =	por !p2, p0  }
0x20: {  	[sflag:s8] =	ssyncset.s32 @!p0 $0xFFFFF086;
	s6 =	sadd.s32 @!p0 s3, s7;
	s7 =	simm.s32 @!p0 $0x108  }
0x21: {  	s3 =	sadd.s32 s3, s9;
	s6 =	sadd.s32 @!p0 $0x88, s6;
	s7 =	simm.s32 @p2 $0x1082  }
0x22: {  	[simem:s7], [sflag:s8] =	dma.local @!p0 [hbm:s6], $0xF7A  }
0x23: {  	s9 =	sor.u32 $0xD0000000, s2;
	s6 =	simm.s32 $0x108;
	_ =	swait.ge @!p0 [sflag:s8], $0x0  }
0x24: {  	s3 =	sadd.s32 $0x88, s3;
	s6 =	simm.s32 @!p1 $0x1082;
	[sflag:s4] =	ssyncset.s32 $0xFFFFF086  }
0x25: {  	[simem:s6], [sflag:s4] =	dma.local [hbm:s3], $0xF7A  }
0x26: {  	[smem:$0x3FA0] =	sst s1;
	(tag) =	ssettag s2;
	_ =	strace s9  }
0x27: {  	s1 =	sld [smem:$0x3FB0]  }
0x28: {  	s2 =	sld [smem:$0x3FB1]  }
0x29: {  	s4 =	sld [smem:$0x3FB3]  }
0x2a: {  	p0 =	seq.s32 s5, $0x0;
	s5 =	sld [smem:$0x3FB4]  }
0x2b: {  	s6 =	sld [smem:$0x3FB5]  }
0x2c: {  	s7 =	sld [smem:$0x3FB6]  }
0x2d: {  	s3 =	simm.s32 $0x108;
	s8 =	sld [smem:$0x3FB7]  }
0x2e: {  	s3 =	simm.s32 @!p0 $0x1082;
	s9 =	sld [smem:$0x3FB8]  }
0x2f: {  	lr =	sadd.s32 s0, s3;
	s0 =	sld [smem:$0x3FAF]  }
0x30: {  	s3 =	sld [smem:$0x3FB2]  }
0x31: {  	[smem:$0x3FBB] =	sst s10  }
0x32: {  	s10 =	sld [smem:$0x3FB9];
	_ =	sdelay $0x3  }
0x33: {  	p0 =	seq.s32 s10, $0x1;
	s10 =	sld [smem:$0x3FBB];
	_ =	sdelay $0x3  }
0x34: {  	[smem:$0x3FBB] =	sst s10  }
0x35: {  	s10 =	sld [smem:$0x3FBA];
	_ =	sdelay $0x3  }
0x36: {  	p1 =	seq.s32 s10, $0x1;
	s10 =	sld [smem:$0x3FBB];
	_ =	sdelay $0x3  }
0x37: {  	[smem:$0x3FBB] =	sst s10  }
0x38: {  	s10 =	sld [smem:$0x3FBC]  }
0x39: {  	_ = 	snop;
	(pc) =	sbr.ind lr, $3  }
0x3a: {  	_ = 	snop  }
0x3b: {  	_ = 	snop  }
0x3c: {  	p2 =	seq.s32 s10, $0x1;
	s10 =	sld [smem:$0x3FBB]  }
0x3d: {  	_ =	shalt  }
0x3e: {  	_ =	shalt  }
0x3f: {  	_ =	shalt  }
0x40: {  	_ =	shalt  }
0x41: {  	_ =	shalt  }
0x42: {  	_ =	shalt  }
0x43: {  	_ =	shalt  }
0x44: {  	_ =	shalt  }
0x45: {  	_ =	shalt  }
0x46: {  	_ =	shalt  }
0x47: {  	_ =	shalt  }
0x48: {  	_ =	shalt  }
0x49: {  	_ =	shalt  }
0x4a: {  	_ =	shalt  }
0x4b: {  	_ =	shalt  }
0x4c: {  	_ =	shalt  }
0x4d: {  	_ =	shalt  }
0x4e: {  	_ =	shalt  }
0x4f: {  	_ =	shalt  }
0x50: {  	_ =	shalt  }
0x51: {  	_ =	shalt  }
0x52: {  	_ =	shalt  }
0x53: {  	_ =	shalt  }
0x54: {  	_ =	shalt  }
0x55: {  	_ =	shalt  }
0x56: {  	_ =	shalt  }
0x57: {  	_ =	shalt  }
0x58: {  	_ =	shalt  }
0x59: {  	_ =	shalt  }
0x5a: {  	_ =	shalt  }
0x5b: {  	_ =	shalt  }
0x5c: {  	_ =	shalt  }
0x5d: {  	_ =	shalt  }
0x5e: {  	_ =	shalt  }
0x5f: {  	_ =	shalt  }
0x60: {  	_ =	shalt  }
0x61: {  	_ =	shalt  }
0x62: {  	_ =	shalt  }
0x63: {  	_ =	shalt  }
0x64: {  	_ =	shalt  }
0x65: {  	_ =	shalt  }
0x66: {  	_ =	shalt  }
0x67: {  	_ =	shalt  }
0x68: {  	_ =	shalt  }
0x69: {  	_ =	shalt  }
0x6a: {  	_ =	shalt  }
0x6b: {  	_ =	shalt  }
0x6c: {  	_ =	shalt  }
0x6d: {  	_ =	shalt  }
0x6e: {  	_ =	shalt  }
0x6f: {  	_ =	shalt  }
0x70: {  	_ =	shalt  }
0x71: {  	_ =	shalt  }
0x72: {  	_ =	shalt  }
0x73: {  	_ =	shalt  }
0x74: {  	_ =	shalt  }
0x75: {  	_ =	shalt  }
0x76: {  	_ =	shalt  }
0x77: {  	_ =	shalt  }
0x78: {  	_ =	shalt  }
0x79: {  	_ =	shalt  }
0x7a: {  	_ =	shalt  }
0x7b: {  	_ =	shalt  }
0x7c: {  	_ =	shalt  }
0x7d: {  	_ =	shalt  }
0x7e: {  	_ =	shalt  }
0x7f: {  	_ =	shalt  }
0x80: {  	_ =	shalt  }
0x81: {  	_ =	shalt  }
0x82: {  	_ =	shalt  }
0x83: {  	_ =	shalt  }
0x84: {  	_ =	shalt  }
0x85: {  	_ =	shalt  }
0x86: {  	_ =	shalt  }
0x87: {  	_ =	shalt  }
.Lfunc_end0:
.L_simem_size_0:
called_computation_lowered:
.L_overlay_start_0:
0x88: {  	s2 =	sld [smem:$0x3FD9]  }
0x89: {  	s3 =	sld [smem:$0x3FFE];
	_ =	sdelay $0x1  }
0x8a: {  	s1 =	srdreg.scid  }
0x8b: {  	s0 =	sand.u32 $0x1, s1  }
0x8c: {  	s17 =	sshll.u32 s0, $0xA;
	s2 =	sadd.s32 s3, s2  }
0x8d: {  	s2 =	sadd.s32 s2, s17  }
0x8e: {  	[smem:$0x3FC7] =	sst s2  }
0x8f: {  	_ = 	snop  }
0x90: {  	s2 =	sld [smem:$0x3FC9];
	(tm) =	ssettm $0x1  }
0x91: {  	s18 =	sld [smem:$0x3FFB];
	_ =	sdelay $0x3  }
0x92: {  	_ =	strace s18  }
0x93: {  	s3 =	sld [smem:$0x3FFC];
	_ =	sdelay $0x3  }
0x94: {  	_ =	strace s3  }
0x95: {  	s3 =	sld [smem:$0x3FFD];
	_ =	sdelay $0x3  }
0x96: {  	_ =	strace s3  }
0x97: {  	_ =	strace $0x8FFFFFFF  }
0x98: {  	s19 =	sld [smem:$0x3FDB];
	_ =	sdelay $0x1  }
0x99: {  	s4 =	simm.s32 $_scs_section_size  }
0x9a: {  	s5 =	simm.s32 $_size__tile_overlayer_lowered;
	s6 =	simm.s32 $_tile_overlayer_lowered  }
0x9b: {  	s22 =	simm.s32 $0x1BFF;
	s21 =	sshll.u32 s6, $0x1;
	s3 =	sadd.s32 s4, s19  }
0x9c: {  	s7 =	simm.s32 $0x0;
	s20 =	sshll.u32 s5, $0x1;
	s5 =	sadd.s32 s21, s3  }
0x9d: {  	[timem:s7], [sflag:s22] =	dma.local [hbm:s5], s20  }
0x9e: {  	_ =	swait.ge [sflag:s22], s20  }
0x9f: {  	s4 =	ssub.s32 $0x0, s20;
	[sflag:s22] =	ssyncset.done $0x0  }
0xa0: {  	[sflag:s22] =	ssyncadd.s32 s4;
	_ =	sdelay $0x1  }
0xa1: {  	s23 =	simm.s32 $0x1B8B  }
0xa2: {  	_ =	swait.ge [sflag:s23], $0x1  }
0xa3: {  	[sflag:s23] =	ssyncset.done $0x0  }
0xa4: {  	s25 =	simm.s32 $0x1B8E;
	s24 =	sld [smem:$0x3FFE];
	[sflag:s23] =	ssyncadd.s32 $0xFFFFFFFF  }
0xa5: {  	s26 =	simm.s32 $execute0_lowered;
	[smem:$0x3FD2] =	sst s25  }
0xa6: {  	s5 =	sshll.u32 s26, $0x1;
	_ =	strace $0x80000046;
	[dreg:$0x1] =	wrdreg $0xFFFFFFFF  }
0xa7: {  	s28 =	simm.s32 $_size_execute0_lowered;
	s3 =	sadd.s32 s3, s5;
	[dreg:$0x0] =	wrdreg $0x0  }
0xa8: {  	s5 =	sshll.u32 s28, $0x1;
	[dreg:$0x2] =	wrdreg s3  }
0xa9: {  	[dreg:$0x3] =	wrdreg s5  }
0xaa: {  	[dreg:$0x4] =	wrdreg $0xC0  }
0xab: {  	_ =	task [dreg:s7], $0x5FFFF  }
0xac: {  	[dreg:$0x1] =	wrdreg $0xFFFFFFFF  }
0xad: {  	[dreg:$0x0] =	wrdreg $0x60  }
0xae: {  	[dreg:$0x2] =	wrdreg s2  }
0xaf: {  	[dreg:$0x3] =	wrdreg s24  }
0xb0: {  	[dreg:$0x4] =	wrdreg $0x9  }
0xb1: {  	_ =	task.clear_ibuf [dreg:s7], $0x5FFFF;
	_ =	strace $0x90000046  }
0xb2: {  	s29 =	simm.s32 $0x9;
	_ =	strace $0x80000048  }
0xb3: {  	_ =	swait.ge [sflag:s29], $0x1  }
0xb4: {  	[sflag:s29] =	ssyncadd.s32 $0xFFFFFFFF  }
0xb5: {  	_ =	strace $0x90000048  }
0xb6: {  	_ =	sfence  }
0xb7: {  	s30 =	sld [smem:$0x0];
	_ =	sdelay $0x2  }
0xb8: {  	s31 =	sshll.u32 s1, $0xD;
	s1 =	sshrl.u32 s1, $0x2  }
0xb9: {  	s3 =	sand.u32 $0x4000, s31;
	s1 =	sadd.s32 s1, s30  }
0xba: {  	s0 =	sor.u32 s3, s0;
	s1 =	sshll.u32 s1, $0x11  }
0xbb: {  	s0 =	sor.u32 s1, s0  }
0xbc: {  	s0 =	sadd.s32 $0x8F2B, s0  }
0xbd: {  	[sflag:s0] =	ssyncadd.remote.s32 $0x1  }
0xbe: {  	_ =	sfence.sel $0xFFFF  }
0xbf: {  	[dreg:$0x0] =	wrdreg $0xFFFFFFFF;
	(pc) =	sbr.abs _section_cstart, $3  }
0xc0: {  	[dreg:$0x1] =	wrdreg $0xFFFFFFFF  }
0xc1: {  	_ =	task.clear_ibuf [dreg:s7], $0x2FFFF;
	_ =	strace $0x9FFFFFFF  }
0xc2: {  	(tm) =	ssettm $0x7FFFFFFF  }
0xc3: {  	_ =	shalt  }
tec
execute0_lowered:
.L_overlay_start_1:
0x0: {  	(tag) =	ssettag $0x1  }
0x1: {  	s6 =	rddreg [dreg:$0x0]  }
0x2: {  	s5 =	rddreg [dreg:$0x1];
	s2 =	srdreg.scid  }
0x3: {  	s0 =	rddreg [dreg:$0x2];
	s1 =	stileid.u32;
	s9 =	sand.u32 $0x1, s2  }
0x4: {  	s2 =	simm.s32 $0x0;
	s3 =	sshll.u32 s1, $0xF;
	s4 =	sshll.u32 s9, $0xE  }
0x5: {  	[smem:$0x7FF] =	sst s2;
	s7 =	sor.u32 s4, s3  }
0x6: {  	_ =	strace $0x80000047;
	s4 =	simm.s32 $0x1;
	s3 =	sadd.s32 s6, s7  }
0x7: {  	[tilespmem:s2], [sflag:$0x1] =	stream.linear.gather [hbm4b:s3+s2], $0x10000, $0x38;
	v63 =	vld [tilespmem:$0x0]  }
0x8: {  	s8 =	simm.s32 $0x2;
	_ =	swait.ge [sflag:s4], $0x10000  }
0x9: {  	s10 =	sadd.s32 $0x400, s5;
	s12 =	ssub.s32 $0x2, s9;
	[sflag:s4] =	ssyncset.done $0x0  }
0xa: {  	s5 =	sadd.s32 s10, s7;
	s11 =	sor.u32 $0x2000, s7;
	[sflag:s4] =	ssyncadd.s32 $0xFFFF0000  }
0xb: {  	[hbm4b:s5+s2] =	stream.linear.scatter [tilespmem:s2], [sflag:$0x3], $0x10000, $0x38;
	v63 =	vld [tilespmem:$0x0]  }
0xc: {  	s31 =	sshrl.u32 s12, $0x1;
	s7 =	simm.s32 $0x10000;
	s6 =	sadd.s32 s6, s11  }
0xd: {  	[tilespmem:s7], [sflag:$0x2] =	stream.linear.gather [hbm4b:s6+s2], $0x10000, $0x38;
	v63 =	vld [tilespmem:$0x0]  }
0xe: {  	s9 =	sadd.s32 s10, s11;
	s11 =	ssub.s32 s12, s31;
	_ =	swait.ge [sflag:s8], $0x10000  }
0xf: {  	s12 =	smax.u32 s11, $0x1;
	[sflag:s8] =	ssyncset.done $0x0  }
0x10: {  	s10 =	simm.s32 $0x3;
	p0 =	sne.s32 s12, $0x1;
	[sflag:s8] =	ssyncadd.s32 $0xFFFF0000  }
0x11: {  	[hbm4b:s9+s2] =	stream.linear.scatter [tilespmem:s7], [sflag:$0x4], $0x10000, $0x38;
	v63 =	vld [tilespmem:$0x0]  }
.Ltmp0:
0x12: {  	_ =	swait.ge [sflag:s10], $0x10000;
	(pc) =	sbr.rel @!p0 .LBB2_2-.Ltmp0, $4  }
0x13: {  	[sflag:s10] =	ssyncset.done $0x0  }
0x14: {  	s11 =	simm.s32 $0x4;
	[sflag:s10] =	ssyncadd.s32 $0xFFFF0000  }
0x15: {  	_ =	swait.ge [sflag:s11], $0x10000  }
0x16: {  	s12 =	sadd.s32 $0xFFFFFFFF, s12;
	[sflag:s11] =	ssyncset.done $0x0  }
.LBB2_1:
0x17: {  	p0 =	sne.s32 s12, $0x1;
	s12 =	sadd.s32 $0xFFFFFFFF, s12;
	[sflag:s11] =	ssyncadd.s32 $0xFFFF0000  }
0x18: {  	[tilespmem:s2], [sflag:$0x1] =	stream.linear.gather [hbm4b:s3+s2], $0x10000, $0x38;
	v63 =	vld [tilespmem:$0x0]  }
0x19: {  	_ =	swait.ge [sflag:s4], $0x10000  }
0x1a: {  	[sflag:s4] =	ssyncset.done $0x0  }
0x1b: {  	[sflag:s4] =	ssyncadd.s32 $0xFFFF0000  }
0x1c: {  	[hbm4b:s5+s2] =	stream.linear.scatter [tilespmem:s2], [sflag:$0x3], $0x10000, $0x38;
	v63 =	vld [tilespmem:$0x0]  }
0x1d: {  	_ = 	snop  }
0x1e: {  	[tilespmem:s7], [sflag:$0x2] =	stream.linear.gather [hbm4b:s6+s2], $0x10000, $0x38;
	v63 =	vld [tilespmem:$0x0]  }
0x1f: {  	_ =	swait.ge [sflag:s8], $0x10000  }
0x20: {  	[sflag:s8] =	ssyncset.done $0x0  }
0x21: {  	[sflag:s8] =	ssyncadd.s32 $0xFFFF0000  }
0x22: {  	[hbm4b:s9+s2] =	stream.linear.scatter [tilespmem:s7], [sflag:$0x4], $0x10000, $0x38;
	v63 =	vld [tilespmem:$0x0]  }
.Ltmp1:
0x23: {  	_ =	swait.ge [sflag:s10], $0x10000;
	(pc) =	sbr.rel @p0 .LBB2_1-.Ltmp1, $4  }
0x24: {  	[sflag:s10] =	ssyncset.done $0x0  }
0x25: {  	[sflag:s10] =	ssyncadd.s32 $0xFFFF0000  }
0x26: {  	_ =	swait.ge [sflag:s11], $0x10000  }
0x27: {  	[sflag:s11] =	ssyncset.done $0x0  }
.LBB2_2:
0x28: {  	[sflag:s11] =	ssyncadd.s32 $0xFFFF0000  }
0x29: {  	_ =	sfence.sel $0x180000  }
0x2a: {  	[bflag:$0x0] =	sbarrier.arrive $0xFFFF  }
0x2b: {  	p0 =	sne.s32 s1, $0x0;
	_ =	strace $0x90000047  }
0x2c: {  	s0 =	sadd.s32 @!p0 $0x100000, s0;
	[bflag:$0x2] =	sbarrier.arrive $0xFFFF  }
0x2d: {  	[sflag:s0] =	ssyncadd.tile.s32 @!p0 $0x1;
	_ =	shalt  }
.Lfunc_end2:
_tile_overlayer_lowered:
.L_overlay_start_2:
0x2e: {  	(tag) =	ssettag $0x2  }
0x2f: {  	s0 =	rddreg [dreg:$0x0];
	s2 =	stileid.u32  }
0x30: {  	s1 =	rddreg [dreg:$0x1];
	p0 =	sne.s32 s2, $0x0  }
0x31: {  	s3 =	rddreg [dreg:$0x2];
	[bflag:$0x3] =	sbarrier.arrive $0xFFFF;
	s2 =	simm.s32 @!p0 $0x1C05  }
0x32: {  	[timem:s3], [sflag:s2] =	dma.local @!p0 [hbm:s0], s1  }
0x33: {  	s0 =	simm.s32 @!p0 $0x5  }
0x34: {  	_ =	swait.ge @!p0 [sflag:s0], s1  }
0x35: {  	s1 =	ssub.s32 @!p0 $0x0, s1;
	[sflag:s0] =	ssyncset.done @!p0 $0x0  }
0x36: {  	[sflag:s0] =	ssyncadd.s32 @!p0 s1  }
0x37: {  	[bflag:$0x3] =	sbarrier.arrive $0xFFFF  }
0x38: {  	_ =	shalt  }

</sc_bundles>
